<compile_context>
chip_gen: v7x
topology: tpu7x:2x2x1
jax: 0.10.2.dev20260603
libtpu: 0.0.44.dev20260713+nightly
codegen_flags: <defaults>
</compile_context>

<pallas_src>
import functools

import jax
import jax.numpy as jnp
from jax import lax
from jax.experimental import pallas as pl
from jax.experimental.pallas import tpu as pltpu
from jax.experimental.pallas import tpu_sc as plsc

N = 10000
NPAD = 10240
ENT = 128
REL = 128
RPAD = 512
NC = 2
NS = 16
L = 16
CHUNK = 80
NHALF = NPAD // NC
NACC = 5200
NZP = NACC // CHUNK
FSTRIPE = NHALF // NS
BA = 2048
DH = 80
DL = 128
EB = 3200


def _prep_ent_body(x_ref, wi_ref, wo_ref, ws_ref, bs_ref, gh_ref, s_ref):
    x = x_ref[...]
    gh_ref[0] = jnp.dot(x, wi_ref[...], preferred_element_type=jnp.float32)
    gh_ref[1] = jnp.dot(x, wo_ref[...], preferred_element_type=jnp.float32)
    s_ref[...] = jnp.dot(x, ws_ref[...], preferred_element_type=jnp.float32) + bs_ref[...]


def _prep_rel_body(r_ref, wi_ref, wo_ref, wr_ref, bi_ref, bo_ref, br_ref,
                   pq_ref, rn_ref):
    r = r_ref[...]
    pq_ref[0] = jnp.dot(r, wi_ref[...], preferred_element_type=jnp.float32) + bi_ref[...]
    pq_ref[1] = jnp.dot(r, wo_ref[...], preferred_element_type=jnp.float32) + bo_ref[...]
    rn_ref[...] = jnp.dot(r, wr_ref[...], preferred_element_type=jnp.float32) + br_ref[...]


def _deg_hist_body(dst_ref, out_ref):
    d = dst_ref[0]
    hi = d // DL
    lo = d - hi * DL
    oh_hi = (hi ==
             lax.broadcasted_iota(jnp.int32, (EB, DH), 1)).astype(jnp.float32)
    oh_lo = (lo ==
             lax.broadcasted_iota(jnp.int32, (EB, DL), 1)).astype(jnp.float32)
    blk = lax.dot_general(oh_hi, oh_lo, (((0,), (0,)), ((), ())),
                          preferred_element_type=jnp.float32)

    @pl.when(pl.program_id(0) == 0)
    def _():
        out_ref[...] = jnp.zeros_like(out_ref)

    out_ref[...] += blk


def _post_body(acc_ref, deg_ref, s_ref, out_ref):
    deg = deg_ref[...]
    out_ref[...] = s_ref[...] + acc_ref[...] / jnp.maximum(deg, 1.0)


def _edge_sc_kernel(e_total):
    ew = e_total // NS
    n_chunks = ew // CHUNK
    mesh = plsc.VectorSubcoreMesh(core_axis_name="c", subcore_axis_name="s")

    assert n_chunks % 2 == 0 and n_chunks >= 4

    @functools.partial(
        pl.kernel,
        mesh=mesh,
        out_type=jax.ShapeDtypeStruct((NPAD, ENT), jnp.float32),
        scratch_types=[
            pltpu.VMEM_SHARED((NACC, ENT), jnp.float32),
            pltpu.VMEM((CHUNK,), jnp.int32),
            pltpu.VMEM((CHUNK,), jnp.int32),
            pltpu.VMEM((CHUNK,), jnp.int32),
            pltpu.VMEM((CHUNK,), jnp.int32),
            pltpu.VMEM((CHUNK,), jnp.int32),
            pltpu.VMEM((CHUNK,), jnp.int32),
            pltpu.VMEM((CHUNK, ENT), jnp.float32),
            pltpu.VMEM((CHUNK, ENT), jnp.float32),
            pltpu.VMEM((CHUNK, ENT), jnp.float32),
            pltpu.VMEM((CHUNK, ENT), jnp.float32),
            pltpu.SemaphoreType.DMA,
            pltpu.SemaphoreType.DMA,
            pltpu.SemaphoreType.DMA,
            pltpu.SemaphoreType.DMA,
            pltpu.SemaphoreType.DMA,
            pltpu.SemaphoreType.DMA,
        ],
    )
    def sck(pq_hbm, gh_hbm, ipq_hbm, igh_hbm, dst_hbm, zrow_hbm,
            acc_out,
            acc_sh, ipqA, ighA, dstA, ipqB, ighB, dstB,
            bufpqA, bufghA, bufpqB, bufghB,
            semA1, semA2, semB1, semB2, semA0, semB0):
        cid = lax.axis_index("c")
        sid = lax.axis_index("s")
        dst_lo = cid * NHALF

        pltpu.sync_copy(zrow_hbm, bufpqA)
        for k in range(-(-NZP // NS)):
            p_static = k * NS
            @pl.when(p_static + sid < NZP)
            def _():
                pltpu.sync_copy(bufpqA,
                                acc_sh.at[pl.ds((p_static + sid) * CHUNK, CHUNK)])
        plsc.subcore_barrier()

        def prefetch(c, ipq_v, igh_v, dst_v, bufpq, bufgh, sem0, sem1, sem2):
            off = sid * ew + c * CHUNK
            ci1 = pltpu.async_copy(ipq_hbm.at[pl.ds(off, CHUNK)], ipq_v, sem0)
            ci2 = pltpu.async_copy(igh_hbm.at[pl.ds(off, CHUNK)], igh_v, sem0)
            ci3 = pltpu.async_copy(dst_hbm.at[pl.ds(off, CHUNK)], dst_v, sem0)
            ci1.wait()
            ci2.wait()
            ci3.wait()
            cp1 = pltpu.async_copy(pq_hbm.at[ipq_v], bufpq, sem1)
            cp2 = pltpu.async_copy(gh_hbm.at[igh_v], bufgh, sem2)
            for j in range(CHUNK // L):
                d = dst_v[pl.ds(j * L, L)] - dst_lo
                oob = (d < 0) | (d >= NHALF)
                dst_v[pl.ds(j * L, L)] = jnp.where(oob, NHALF, d)
            return cp1, cp2

        def commit(dst_v, bufpq, bufgh, cp1, cp2, sem0):
            cp1.wait()
            cs1 = pltpu.async_copy(bufpq, acc_sh.at[dst_v], sem0, add=True)
            cp2.wait()
            cs2 = pltpu.async_copy(bufgh, acc_sh.at[dst_v], sem0, add=True)
            cs1.wait()
            cs2.wait()

        cpA = prefetch(0, ipqA, ighA, dstA, bufpqA, bufghA, semA0, semA1, semA2)

        def body(i, carry):
            cB = 2 * i + 1
            cpB = prefetch(cB, ipqB, ighB, dstB, bufpqB, bufghB, semB0, semB1, semB2)
            commit(dstA, bufpqA, bufghA,
                   pltpu.make_async_copy(pq_hbm.at[ipqA], bufpqA, semA1),
                   pltpu.make_async_copy(gh_hbm.at[ighA], bufghA, semA2),
                   semA0)
            cpA2 = prefetch(cB + 1, ipqA, ighA, dstA, bufpqA, bufghA,
                            semA0, semA1, semA2)
            commit(dstB, bufpqB, bufghB,
                   pltpu.make_async_copy(pq_hbm.at[ipqB], bufpqB, semB1),
                   pltpu.make_async_copy(gh_hbm.at[ighB], bufghB, semB2),
                   semB0)
            return carry

        lax.fori_loop(0, n_chunks // 2 - 1, body, 0)
        cpB = prefetch(n_chunks - 1, ipqB, ighB, dstB, bufpqB, bufghB,
                       semB0, semB1, semB2)
        commit(dstA, bufpqA, bufghA,
               pltpu.make_async_copy(pq_hbm.at[ipqA], bufpqA, semA1),
               pltpu.make_async_copy(gh_hbm.at[ighA], bufghA, semA2),
               semA0)
        commit(dstB, bufpqB, bufghB, cpB[0], cpB[1], semB0)
        plsc.subcore_barrier()

        row0 = sid * FSTRIPE
        out0 = cid * NHALF + row0
        for k in range(FSTRIPE // CHUNK):
            pltpu.sync_copy(acc_sh.at[pl.ds(row0 + k * CHUNK, CHUNK)], bufpqA)
            pltpu.sync_copy(bufpqA, acc_out.at[pl.ds(out0 + k * CHUNK, CHUNK)])

    return sck


def kernel(ent_emb, rel_emb, edge_index, edge_rel, edge_inv,
           W_I, b_I, W_O, b_O, W_S, b_S, W_R, b_R):
    n, ent_d = ent_emb.shape
    r_cnt, rel_d = rel_emb.shape
    e_total = edge_rel.shape[0]
    assert (n, ent_d, rel_d) == (N, ENT, REL)
    assert e_total % (NS * CHUNK) == 0 and e_total % EB == 0

    src = edge_index[0]
    dst = edge_index[1]

    ent_pad = jnp.zeros((NPAD, ENT), jnp.float32).at[:n].set(ent_emb)
    gh, s_out = pl.pallas_call(
        _prep_ent_body,
        grid=(NPAD // BA,),
        in_specs=[
            pl.BlockSpec((BA, ENT), lambda i: (i, 0)),
            pl.BlockSpec((ENT, ENT), lambda i: (0, 0)),
            pl.BlockSpec((ENT, ENT), lambda i: (0, 0)),
            pl.BlockSpec((ENT, ENT), lambda i: (0, 0)),
            pl.BlockSpec((1, ENT), lambda i: (0, 0)),
        ],
        out_specs=[
            pl.BlockSpec((2, BA, ENT), lambda i: (0, i, 0)),
            pl.BlockSpec((BA, ENT), lambda i: (i, 0)),
        ],
        out_shape=[
            jax.ShapeDtypeStruct((2, NPAD, ENT), jnp.float32),
            jax.ShapeDtypeStruct((NPAD, ENT), jnp.float32),
        ],
    )(ent_pad, W_I[:, REL:].T, W_O[:, REL:].T, W_S.T, b_S[None, :])

    rel_pad = jnp.zeros((RPAD, rel_d), jnp.float32).at[:r_cnt].set(rel_emb)
    pq, rel_new_pad = pl.pallas_call(
        _prep_rel_body,
        out_shape=[
            jax.ShapeDtypeStruct((2, RPAD, ENT), jnp.float32),
            jax.ShapeDtypeStruct((RPAD, REL), jnp.float32),
        ],
    )(rel_pad, W_I[:, :REL].T, W_O[:, :REL].T, W_R.T,
      b_I[None, :], b_O[None, :], b_R[None, :])

    deg2d = pl.pallas_call(
        _deg_hist_body,
        grid=(e_total // EB,),
        in_specs=[pl.BlockSpec((1, EB, 1), lambda k: (k, 0, 0))],
        out_specs=pl.BlockSpec((DH, DL), lambda k: (0, 0)),
        out_shape=jax.ShapeDtypeStruct((DH, DL), jnp.float32),
    )(dst.reshape(e_total // EB, EB, 1))

    idx_pq = edge_rel + edge_inv * RPAD
    idx_gh = src + edge_inv * NPAD
    zrow = jnp.zeros((CHUNK, ENT), jnp.float32)
    acc = _edge_sc_kernel(e_total)(
        pq.reshape(2 * RPAD, ENT), gh.reshape(2 * NPAD, ENT),
        idx_pq, idx_gh, dst, zrow)

    ent_new_pad = pl.pallas_call(
        _post_body,
        grid=(NPAD // BA,),
        in_specs=[
            pl.BlockSpec((BA, ENT), lambda i: (i, 0)),
            pl.BlockSpec((BA, 1), lambda i: (i, 0)),
            pl.BlockSpec((BA, ENT), lambda i: (i, 0)),
        ],
        out_specs=pl.BlockSpec((BA, ENT), lambda i: (i, 0)),
        out_shape=jax.ShapeDtypeStruct((NPAD, ENT), jnp.float32),
    )(acc, deg2d.reshape(NPAD, 1), s_out)

    return ent_new_pad[:n], rel_new_pad[:r_cnt]

# --- scband reference (transcript-rebuilt; emitter-appended) ---
"""Pipeline reference for scband-ext-gnnlayer-74182675136996 (READ-ONLY COPY).

The authoritative reference and input builder live on the scoring server;
editing this copy changes nothing except your own understanding.
"""

import jax, jax.numpy as jnp
import numpy as np

N = 10000
E = 320000
R = 500
ENT = 128
REL = 128


def setup_inputs(seed: int = 0) -> dict:
    key = jax.random.key(seed)
    ks = jax.random.split(key, 12)
    ent_emb = jax.random.normal(ks[0], (N, ENT), dtype=jnp.float32)
    rel_emb = jax.random.normal(ks[1], (R, REL), dtype=jnp.float32)
    # int32 used in jax (x64 disabled by default); values in range for int64 spec
    edge_index = jax.random.randint(ks[2], (2, E), 0, N, dtype=jnp.int32)
    edge_rel = jax.random.randint(ks[3], (E,), 0, R, dtype=jnp.int32)
    edge_inv = jax.random.randint(ks[4], (E,), 0, 2, dtype=jnp.int32)
    s = 0.05
    W_I = s * jax.random.normal(ks[5], (ENT, REL + ENT), dtype=jnp.float32)
    b_I = jnp.zeros((ENT,), dtype=jnp.float32)
    W_O = s * jax.random.normal(ks[6], (ENT, REL + ENT), dtype=jnp.float32)
    b_O = jnp.zeros((ENT,), dtype=jnp.float32)
    W_S = s * jax.random.normal(ks[7], (ENT, ENT), dtype=jnp.float32)
    b_S = jnp.zeros((ENT,), dtype=jnp.float32)
    W_R = s * jax.random.normal(ks[8], (REL, REL), dtype=jnp.float32)
    b_R = jnp.zeros((REL,), dtype=jnp.float32)
    return {
        "ent_emb": ent_emb, "rel_emb": rel_emb,
        "edge_index": edge_index, "edge_rel": edge_rel, "edge_inv": edge_inv,
        "W_I": W_I, "b_I": b_I, "W_O": W_O, "b_O": b_O,
        "W_S": W_S, "b_S": b_S, "W_R": W_R, "b_R": b_R,
    }


def reference(ent_emb, rel_emb, edge_index, edge_rel, edge_inv,
              W_I, b_I, W_O, b_O, W_S, b_S, W_R, b_R):
    src = edge_index[0]
    dst = edge_index[1]
    # g.edata['h'] = rel_emb[b_rel]
    h_edge = jnp.take(rel_emb, edge_rel, axis=0)            # [E, REL]
    h_src = jnp.take(ent_emb, src, axis=0)                  # [E, ENT]
    comp_h = jnp.concatenate([h_edge, h_src], axis=-1)      # [E, REL+ENT]
    # msg_func: W_I on inv==0 edges, W_O on inv==1 edges
    msg_I = comp_h @ W_I.T + b_I
    msg_O = comp_h @ W_O.T + b_O
    is_inv = (edge_inv == 1)
    msg = jnp.where(is_inv[:, None], msg_O, msg_I)          # [E, ENT]
    # fn.mean('msg', 'h_agg'): per-dst mean; nodes with no in-edges get 0
    agg = jax.ops.segment_sum(msg, dst, num_segments=N)
    deg = jax.ops.segment_sum(jnp.ones((E,), dtype=jnp.float32), dst, num_segments=N)
    h_agg = agg / jnp.maximum(deg, 1.0)[:, None]
    # apply_node_func: h_new = W_S(h) + h_agg (act is None)
    ent_new = ent_emb @ W_S.T + b_S + h_agg
    # edge_update: rel_new = W_R(rel_emb) (act is None)
    rel_new = rel_emb @ W_R.T + b_R
    return (ent_new, rel_new)

if __name__ == "__main__":
    import jax
    _d = setup_inputs()
    print(jax.jit(kernel)(*tuple(_d.values())))

</pallas_src>

<mosaic_0001>
#map = affine_map<(d0, d1) -> (0, 0)>
#map1 = affine_map<(d0, d1) -> (0)>
module attributes {stable_mosaic.version = 14 : i64} {
  func.func @sck(%arg0: i32, %arg1: i32, %arg2: memref<1024x128xf32, #tpu.memory_space<hbm>>, %arg3: memref<20480x128xf32, #tpu.memory_space<hbm>>, %arg4: memref<320000xi32, #tpu.memory_space<hbm>>, %arg5: memref<320000xi32, #tpu.memory_space<hbm>>, %arg6: memref<320000xi32, #tpu.memory_space<hbm>>, %arg7: memref<80x128xf32, #tpu.memory_space<hbm>>, %arg8: memref<10240x128xf32, #tpu.memory_space<hbm>>, %arg9: memref<5200x128xf32, #tpu.memory_space<vmem_shared>>, %arg10: memref<80xi32, #tpu.memory_space<vmem>>, %arg11: memref<80xi32, #tpu.memory_space<vmem>>, %arg12: memref<80xi32, #tpu.memory_space<vmem>>, %arg13: memref<80xi32, #tpu.memory_space<vmem>>, %arg14: memref<80xi32, #tpu.memory_space<vmem>>, %arg15: memref<80xi32, #tpu.memory_space<vmem>>, %arg16: memref<80x128xf32, #tpu.memory_space<vmem>>, %arg17: memref<80x128xf32, #tpu.memory_space<vmem>>, %arg18: memref<80x128xf32, #tpu.memory_space<vmem>>, %arg19: memref<80x128xf32, #tpu.memory_space<vmem>>, %arg20: memref<!tpu.dma_semaphore, #tpu.memory_space<semaphore_mem>>, %arg21: memref<!tpu.dma_semaphore, #tpu.memory_space<semaphore_mem>>, %arg22: memref<!tpu.dma_semaphore, #tpu.memory_space<semaphore_mem>>, %arg23: memref<!tpu.dma_semaphore, #tpu.memory_space<semaphore_mem>>, %arg24: memref<!tpu.dma_semaphore, #tpu.memory_space<semaphore_mem>>, %arg25: memref<!tpu.dma_semaphore, #tpu.memory_space<semaphore_mem>>) attributes {dimension_semantics = [#tpu.dimension_semantics<core_parallel>, #tpu.dimension_semantics<subcore_parallel>], iteration_bounds = array<i64: 2, 16>, scalar_prefetch = 0 : i64, scratch_operands = 17 : i64, tpu.core_type = #tpu.core_type<sc_vector_subcore>, window_params = [{transform_indices = #map}, {transform_indices = #map}, {transform_indices = #map1}, {transform_indices = #map1}, {transform_indices = #map1}, {transform_indices = #map}, {transform_indices = #map}]} {
    %mul3A = arith.constant 5120 : i32
    %mul3A_0 = arith.muli %arg0, %mul3A : i32
    "tpu.region"() ({
      %run_scoped3A = tpu.sem_alloc : memref<!tpu.dma_semaphore, #tpu.memory_space<semaphore_mem>>
      tpu.enqueue_dma source(%arg7 : memref<80x128xf32, #tpu.memory_space<hbm>>) target(%arg16 : memref<80x128xf32, #tpu.memory_space<vmem>>) target_semaphore(%run_scoped3A : memref<!tpu.dma_semaphore, #tpu.memory_space<semaphore_mem>>)
      tpu.wait_dma2 semaphore(%run_scoped3A : memref<!tpu.dma_semaphore, #tpu.memory_space<semaphore_mem>>) src(%arg7 : memref<80x128xf32, #tpu.memory_space<hbm>>) dst(%arg16 : memref<80x128xf32, #tpu.memory_space<vmem>>)
      tpu.yield
    }) : () -> ()
    %add3A = arith.constant 0 : i32
    %add3A_1 = arith.addi %add3A, %arg1 : i32
    %lt3A = arith.constant 65 : i32
    %lt3A_2 = arith.cmpi slt, %add3A_1, %lt3A : i32
    %convert_element_type3A = arith.extui %lt3A_2 : i1 to i32
    %cond3A = arith.constant 0 : i32
    %cond3A_3 = arith.cmpi ne, %convert_element_type3A, %cond3A : i32
    scf.if %cond3A_3 {
      %add3A_319 = arith.constant 0 : i32
      %add3A_320 = arith.addi %add3A_319, %arg1 : i32
      %mul3A_321 = arith.constant 80 : i32
      %mul3A_322 = arith.muli %add3A_320, %mul3A_321 : i32
      "tpu.region"() ({
        %run_scoped3A = tpu.sem_alloc : memref<!tpu.dma_semaphore, #tpu.memory_space<semaphore_mem>>
        %dma_start3A_323 = arith.constant 0 : i32
        %dma_start3A_324 = tpu.memref_slice %arg9[%mul3A_322, %dma_start3A_323] : memref<5200x128xf32, #tpu.memory_space<vmem_shared>> -> memref<80x128xf32, #tpu.memory_space<vmem_shared>>
        %dma_start3A_325 = arith.constant 0 : i32
        %dma_start3A_326 = tpu.memref_slice %arg9[%mul3A_322, %dma_start3A_325] : memref<5200x128xf32, #tpu.memory_space<vmem_shared>> -> memref<80x128xf32, #tpu.memory_space<vmem_shared>>
        tpu.enqueue_dma source(%arg16 : memref<80x128xf32, #tpu.memory_space<vmem>>) target(%dma_start3A_326 : memref<80x128xf32, #tpu.memory_space<vmem_shared>>) target_semaphore(%run_scoped3A : memref<!tpu.dma_semaphore, #tpu.memory_space<semaphore_mem>>)
        %dma_wait3A_327 = arith.constant 0 : i32
        %dma_wait3A_328 = tpu.memref_slice %arg9[%mul3A_322, %dma_wait3A_327] : memref<5200x128xf32, #tpu.memory_space<vmem_shared>> -> memref<80x128xf32, #tpu.memory_space<vmem_shared>>
        %dma_wait3A_329 = arith.constant 0 : i32
        %dma_wait3A_330 = tpu.memref_slice %arg9[%mul3A_322, %dma_wait3A_329] : memref<5200x128xf32, #tpu.memory_space<vmem_shared>> -> memref<80x128xf32, #tpu.memory_space<vmem_shared>>
        tpu.wait_dma2 semaphore(%run_scoped3A : memref<!tpu.dma_semaphore, #tpu.memory_space<semaphore_mem>>) src(%arg16 : memref<80x128xf32, #tpu.memory_space<vmem>>) dst(%dma_wait3A_330 : memref<80x128xf32, #tpu.memory_space<vmem_shared>>)
        tpu.yield
      }) : () -> ()
    } else {
    }
    %add3A_4 = arith.constant 16 : i32
    %add3A_5 = arith.addi %add3A_4, %arg1 : i32
    %lt3A_6 = arith.constant 65 : i32
    %lt3A_7 = arith.cmpi slt, %add3A_5, %lt3A_6 : i32
    %convert_element_type3A_8 = arith.extui %lt3A_7 : i1 to i32
    %cond3A_9 = arith.constant 0 : i32
    %cond3A_10 = arith.cmpi ne, %convert_element_type3A_8, %cond3A_9 : i32
    scf.if %cond3A_10 {
      %add3A_319 = arith.constant 16 : i32
      %add3A_320 = arith.addi %add3A_319, %arg1 : i32
      %mul3A_321 = arith.constant 80 : i32
      %mul3A_322 = arith.muli %add3A_320, %mul3A_321 : i32
      "tpu.region"() ({
        %run_scoped3A = tpu.sem_alloc : memref<!tpu.dma_semaphore, #tpu.memory_space<semaphore_mem>>
        %dma_start3A_323 = arith.constant 0 : i32
        %dma_start3A_324 = tpu.memref_slice %arg9[%mul3A_322, %dma_start3A_323] : memref<5200x128xf32, #tpu.memory_space<vmem_shared>> -> memref<80x128xf32, #tpu.memory_space<vmem_shared>>
        %dma_start3A_325 = arith.constant 0 : i32
        %dma_start3A_326 = tpu.memref_slice %arg9[%mul3A_322, %dma_start3A_325] : memref<5200x128xf32, #tpu.memory_space<vmem_shared>> -> memref<80x128xf32, #tpu.memory_space<vmem_shared>>
        tpu.enqueue_dma source(%arg16 : memref<80x128xf32, #tpu.memory_space<vmem>>) target(%dma_start3A_326 : memref<80x128xf32, #tpu.memory_space<vmem_shared>>) target_semaphore(%run_scoped3A : memref<!tpu.dma_semaphore, #tpu.memory_space<semaphore_mem>>)
        %dma_wait3A_327 = arith.constant 0 : i32
        %dma_wait3A_328 = tpu.memref_slice %arg9[%mul3A_322, %dma_wait3A_327] : memref<5200x128xf32, #tpu.memory_space<vmem_shared>> -> memref<80x128xf32, #tpu.memory_space<vmem_shared>>
        %dma_wait3A_329 = arith.constant 0 : i32
        %dma_wait3A_330 = tpu.memref_slice %arg9[%mul3A_322, %dma_wait3A_329] : memref<5200x128xf32, #tpu.memory_space<vmem_shared>> -> memref<80x128xf32, #tpu.memory_space<vmem_shared>>
        tpu.wait_dma2 semaphore(%run_scoped3A : memref<!tpu.dma_semaphore, #tpu.memory_space<semaphore_mem>>) src(%arg16 : memref<80x128xf32, #tpu.memory_space<vmem>>) dst(%dma_wait3A_330 : memref<80x128xf32, #tpu.memory_space<vmem_shared>>)
        tpu.yield
      }) : () -> ()
    } else {
    }
    %add3A_11 = arith.constant 32 : i32
    %add3A_12 = arith.addi %add3A_11, %arg1 : i32
    %lt3A_13 = arith.constant 65 : i32
    %lt3A_14 = arith.cmpi slt, %add3A_12, %lt3A_13 : i32
    %convert_element_type3A_15 = arith.extui %lt3A_14 : i1 to i32
    %cond3A_16 = arith.constant 0 : i32
    %cond3A_17 = arith.cmpi ne, %convert_element_type3A_15, %cond3A_16 : i32
    scf.if %cond3A_17 {
      %add3A_319 = arith.constant 32 : i32
      %add3A_320 = arith.addi %add3A_319, %arg1 : i32
      %mul3A_321 = arith.constant 80 : i32
      %mul3A_322 = arith.muli %add3A_320, %mul3A_321 : i32
      "tpu.region"() ({
        %run_scoped3A = tpu.sem_alloc : memref<!tpu.dma_semaphore, #tpu.memory_space<semaphore_mem>>
        %dma_start3A_323 = arith.constant 0 : i32
        %dma_start3A_324 = tpu.memref_slice %arg9[%mul3A_322, %dma_start3A_323] : memref<5200x128xf32, #tpu.memory_space<vmem_shared>> -> memref<80x128xf32, #tpu.memory_space<vmem_shared>>
        %dma_start3A_325 = arith.constant 0 : i32
        %dma_start3A_326 = tpu.memref_slice %arg9[%mul3A_322, %dma_start3A_325] : memref<5200x128xf32, #tpu.memory_space<vmem_shared>> -> memref<80x128xf32, #tpu.memory_space<vmem_shared>>
        tpu.enqueue_dma source(%arg16 : memref<80x128xf32, #tpu.memory_space<vmem>>) target(%dma_start3A_326 : memref<80x128xf32, #tpu.memory_space<vmem_shared>>) target_semaphore(%run_scoped3A : memref<!tpu.dma_semaphore, #tpu.memory_space<semaphore_mem>>)
        %dma_wait3A_327 = arith.constant 0 : i32
        %dma_wait3A_328 = tpu.memref_slice %arg9[%mul3A_322, %dma_wait3A_327] : memref<5200x128xf32, #tpu.memory_space<vmem_shared>> -> memref<80x128xf32, #tpu.memory_space<vmem_shared>>
        %dma_wait3A_329 = arith.constant 0 : i32
        %dma_wait3A_330 = tpu.memref_slice %arg9[%mul3A_322, %dma_wait3A_329] : memref<5200x128xf32, #tpu.memory_space<vmem_shared>> -> memref<80x128xf32, #tpu.memory_space<vmem_shared>>
        tpu.wait_dma2 semaphore(%run_scoped3A : memref<!tpu.dma_semaphore, #tpu.memory_space<semaphore_mem>>) src(%arg16 : memref<80x128xf32, #tpu.memory_space<vmem>>) dst(%dma_wait3A_330 : memref<80x128xf32, #tpu.memory_space<vmem_shared>>)
        tpu.yield
      }) : () -> ()
    } else {
    }
    %add3A_18 = arith.constant 48 : i32
    %add3A_19 = arith.addi %add3A_18, %arg1 : i32
    %lt3A_20 = arith.constant 65 : i32
    %lt3A_21 = arith.cmpi slt, %add3A_19, %lt3A_20 : i32
    %convert_element_type3A_22 = arith.extui %lt3A_21 : i1 to i32
    %cond3A_23 = arith.constant 0 : i32
    %cond3A_24 = arith.cmpi ne, %convert_element_type3A_22, %cond3A_23 : i32
    scf.if %cond3A_24 {
      %add3A_319 = arith.constant 48 : i32
      %add3A_320 = arith.addi %add3A_319, %arg1 : i32
      %mul3A_321 = arith.constant 80 : i32
      %mul3A_322 = arith.muli %add3A_320, %mul3A_321 : i32
      "tpu.region"() ({
        %run_scoped3A = tpu.sem_alloc : memref<!tpu.dma_semaphore, #tpu.memory_space<semaphore_mem>>
        %dma_start3A_323 = arith.constant 0 : i32
        %dma_start3A_324 = tpu.memref_slice %arg9[%mul3A_322, %dma_start3A_323] : memref<5200x128xf32, #tpu.memory_space<vmem_shared>> -> memref<80x128xf32, #tpu.memory_space<vmem_shared>>
        %dma_start3A_325 = arith.constant 0 : i32
        %dma_start3A_326 = tpu.memref_slice %arg9[%mul3A_322, %dma_start3A_325] : memref<5200x128xf32, #tpu.memory_space<vmem_shared>> -> memref<80x128xf32, #tpu.memory_space<vmem_shared>>
        tpu.enqueue_dma source(%arg16 : memref<80x128xf32, #tpu.memory_space<vmem>>) target(%dma_start3A_326 : memref<80x128xf32, #tpu.memory_space<vmem_shared>>) target_semaphore(%run_scoped3A : memref<!tpu.dma_semaphore, #tpu.memory_space<semaphore_mem>>)
        %dma_wait3A_327 = arith.constant 0 : i32
        %dma_wait3A_328 = tpu.memref_slice %arg9[%mul3A_322, %dma_wait3A_327] : memref<5200x128xf32, #tpu.memory_space<vmem_shared>> -> memref<80x128xf32, #tpu.memory_space<vmem_shared>>
        %dma_wait3A_329 = arith.constant 0 : i32
        %dma_wait3A_330 = tpu.memref_slice %arg9[%mul3A_322, %dma_wait3A_329] : memref<5200x128xf32, #tpu.memory_space<vmem_shared>> -> memref<80x128xf32, #tpu.memory_space<vmem_shared>>
        tpu.wait_dma2 semaphore(%run_scoped3A : memref<!tpu.dma_semaphore, #tpu.memory_space<semaphore_mem>>) src(%arg16 : memref<80x128xf32, #tpu.memory_space<vmem>>) dst(%dma_wait3A_330 : memref<80x128xf32, #tpu.memory_space<vmem_shared>>)
        tpu.yield
      }) : () -> ()
    } else {
    }
    %add3A_25 = arith.constant 64 : i32
    %add3A_26 = arith.addi %add3A_25, %arg1 : i32
    %lt3A_27 = arith.constant 65 : i32
    %lt3A_28 = arith.cmpi slt, %add3A_26, %lt3A_27 : i32
    %convert_element_type3A_29 = arith.extui %lt3A_28 : i1 to i32
    %cond3A_30 = arith.constant 0 : i32
    %cond3A_31 = arith.cmpi ne, %convert_element_type3A_29, %cond3A_30 : i32
    scf.if %cond3A_31 {
      %add3A_319 = arith.constant 64 : i32
      %add3A_320 = arith.addi %add3A_319, %arg1 : i32
      %mul3A_321 = arith.constant 80 : i32
      %mul3A_322 = arith.muli %add3A_320, %mul3A_321 : i32
      "tpu.region"() ({
        %run_scoped3A = tpu.sem_alloc : memref<!tpu.dma_semaphore, #tpu.memory_space<semaphore_mem>>
        %dma_start3A_323 = arith.constant 0 : i32
        %dma_start3A_324 = tpu.memref_slice %arg9[%mul3A_322, %dma_start3A_323] : memref<5200x128xf32, #tpu.memory_space<vmem_shared>> -> memref<80x128xf32, #tpu.memory_space<vmem_shared>>
        %dma_start3A_325 = arith.constant 0 : i32
        %dma_start3A_326 = tpu.memref_slice %arg9[%mul3A_322, %dma_start3A_325] : memref<5200x128xf32, #tpu.memory_space<vmem_shared>> -> memref<80x128xf32, #tpu.memory_space<vmem_shared>>
        tpu.enqueue_dma source(%arg16 : memref<80x128xf32, #tpu.memory_space<vmem>>) target(%dma_start3A_326 : memref<80x128xf32, #tpu.memory_space<vmem_shared>>) target_semaphore(%run_scoped3A : memref<!tpu.dma_semaphore, #tpu.memory_space<semaphore_mem>>)
        %dma_wait3A_327 = arith.constant 0 : i32
        %dma_wait3A_328 = tpu.memref_slice %arg9[%mul3A_322, %dma_wait3A_327] : memref<5200x128xf32, #tpu.memory_space<vmem_shared>> -> memref<80x128xf32, #tpu.memory_space<vmem_shared>>
        %dma_wait3A_329 = arith.constant 0 : i32
        %dma_wait3A_330 = tpu.memref_slice %arg9[%mul3A_322, %dma_wait3A_329] : memref<5200x128xf32, #tpu.memory_space<vmem_shared>> -> memref<80x128xf32, #tpu.memory_space<vmem_shared>>
        tpu.wait_dma2 semaphore(%run_scoped3A : memref<!tpu.dma_semaphore, #tpu.memory_space<semaphore_mem>>) src(%arg16 : memref<80x128xf32, #tpu.memory_space<vmem>>) dst(%dma_wait3A_330 : memref<80x128xf32, #tpu.memory_space<vmem_shared>>)
        tpu.yield
      }) : () -> ()
    } else {
    }
    %barrier3A = arith.constant 0 : index
    tpu.barrier barrier_id(%barrier3A)
    %mul3A_32 = arith.constant 20000 : i32
    %mul3A_33 = arith.muli %arg1, %mul3A_32 : i32
    %add3A_34 = arith.constant 0 : i32
    %add3A_35 = arith.addi %mul3A_33, %add3A_34 : i32
    %dma_start3A = tpu.memref_slice %arg4[%add3A_35] : memref<320000xi32, #tpu.memory_space<hbm>> -> memref<80xi32, #tpu.memory_space<hbm>>
    %dma_start3A_36 = tpu.memref_slice %arg4[%add3A_35] : memref<320000xi32, #tpu.memory_space<hbm>> -> memref<80xi32, #tpu.memory_space<hbm>>
    tpu.enqueue_dma source(%dma_start3A_36 : memref<80xi32, #tpu.memory_space<hbm>>) target(%arg10 : memref<80xi32, #tpu.memory_space<vmem>>) target_semaphore(%arg24 : memref<!tpu.dma_semaphore, #tpu.memory_space<semaphore_mem>>)
    %dma_start3A_37 = tpu.memref_slice %arg5[%add3A_35] : memref<320000xi32, #tpu.memory_space<hbm>> -> memref<80xi32, #tpu.memory_space<hbm>>
    %dma_start3A_38 = tpu.memref_slice %arg5[%add3A_35] : memref<320000xi32, #tpu.memory_space<hbm>> -> memref<80xi32, #tpu.memory_space<hbm>>
    tpu.enqueue_dma source(%dma_start3A_38 : memref<80xi32, #tpu.memory_space<hbm>>) target(%arg11 : memref<80xi32, #tpu.memory_space<vmem>>) target_semaphore(%arg24 : memref<!tpu.dma_semaphore, #tpu.memory_space<semaphore_mem>>)
    %dma_start3A_39 = tpu.memref_slice %arg6[%add3A_35] : memref<320000xi32, #tpu.memory_space<hbm>> -> memref<80xi32, #tpu.memory_space<hbm>>
    %dma_start3A_40 = tpu.memref_slice %arg6[%add3A_35] : memref<320000xi32, #tpu.memory_space<hbm>> -> memref<80xi32, #tpu.memory_space<hbm>>
    tpu.enqueue_dma source(%dma_start3A_40 : memref<80xi32, #tpu.memory_space<hbm>>) target(%arg12 : memref<80xi32, #tpu.memory_space<vmem>>) target_semaphore(%arg24 : memref<!tpu.dma_semaphore, #tpu.memory_space<semaphore_mem>>)
    %dma_wait3A = tpu.memref_slice %arg4[%add3A_35] : memref<320000xi32, #tpu.memory_space<hbm>> -> memref<80xi32, #tpu.memory_space<hbm>>
    %dma_wait3A_41 = tpu.memref_slice %arg4[%add3A_35] : memref<320000xi32, #tpu.memory_space<hbm>> -> memref<80xi32, #tpu.memory_space<hbm>>
    tpu.wait_dma2 semaphore(%arg24 : memref<!tpu.dma_semaphore, #tpu.memory_space<semaphore_mem>>) src(%dma_wait3A_41 : memref<80xi32, #tpu.memory_space<hbm>>) dst(%arg10 : memref<80xi32, #tpu.memory_space<vmem>>)
    %dma_wait3A_42 = tpu.memref_slice %arg5[%add3A_35] : memref<320000xi32, #tpu.memory_space<hbm>> -> memref<80xi32, #tpu.memory_space<hbm>>
    %dma_wait3A_43 = tpu.memref_slice %arg5[%add3A_35] : memref<320000xi32, #tpu.memory_space<hbm>> -> memref<80xi32, #tpu.memory_space<hbm>>
    tpu.wait_dma2 semaphore(%arg24 : memref<!tpu.dma_semaphore, #tpu.memory_space<semaphore_mem>>) src(%dma_wait3A_43 : memref<80xi32, #tpu.memory_space<hbm>>) dst(%arg11 : memref<80xi32, #tpu.memory_space<vmem>>)
    %dma_wait3A_44 = tpu.memref_slice %arg6[%add3A_35] : memref<320000xi32, #tpu.memory_space<hbm>> -> memref<80xi32, #tpu.memory_space<hbm>>
    %dma_wait3A_45 = tpu.memref_slice %arg6[%add3A_35] : memref<320000xi32, #tpu.memory_space<hbm>> -> memref<80xi32, #tpu.memory_space<hbm>>
    tpu.wait_dma2 semaphore(%arg24 : memref<!tpu.dma_semaphore, #tpu.memory_space<semaphore_mem>>) src(%dma_wait3A_45 : memref<80xi32, #tpu.memory_space<hbm>>) dst(%arg12 : memref<80xi32, #tpu.memory_space<vmem>>)
    %dma_start3A_46 = arith.constant 0 : i32
    %dma_start3A_47 = arith.constant 0 : i32
    %dma_start3A_48 = tpu.memref_slice %arg2[%dma_start3A_46, %dma_start3A_47] : memref<1024x128xf32, #tpu.memory_space<hbm>> -> memref<1024x128xf32, #tpu.memory_space<hbm>>
    tpu.enqueue_indirect_dma source(%dma_start3A_48 : memref<1024x128xf32, #tpu.memory_space<hbm>>) target(%arg16 : memref<80x128xf32, #tpu.memory_space<vmem>>) offsets(%arg10 : memref<80xi32, #tpu.memory_space<vmem>>) semaphore(%arg20 : memref<!tpu.dma_semaphore, #tpu.memory_space<semaphore_mem>>)
    %dma_start3A_49 = arith.constant 0 : i32
    %dma_start3A_50 = arith.constant 0 : i32
    %dma_start3A_51 = tpu.memref_slice %arg3[%dma_start3A_49, %dma_start3A_50] : memref<20480x128xf32, #tpu.memory_space<hbm>> -> memref<20480x128xf32, #tpu.memory_space<hbm>>
    tpu.enqueue_indirect_dma source(%dma_start3A_51 : memref<20480x128xf32, #tpu.memory_space<hbm>>) target(%arg17 : memref<80x128xf32, #tpu.memory_space<vmem>>) offsets(%arg11 : memref<80xi32, #tpu.memory_space<vmem>>) semaphore(%arg21 : memref<!tpu.dma_semaphore, #tpu.memory_space<semaphore_mem>>)
    %get3A = arith.constant 0 : index
    %get3A_52 = tpu.vector_load %arg12[%get3A] {strides = array<i32>} : memref<80xi32, #tpu.memory_space<vmem>>, vector<16xi32>,
    %get3A_53 = vector.shape_cast %get3A_52 : vector<16xi32> to vector<16xi32>
    %sub3A = vector.broadcast %mul3A_0 : i32 to vector<16xi32>
    %sub3A_54 = arith.subi %get3A_53, %sub3A : vector<16xi32>
    %lt3A_55 = arith.constant 0 : i32
    %lt3A_56 = vector.broadcast %lt3A_55 : i32 to vector<16xi32>
    %lt3A_57 = arith.cmpi slt, %sub3A_54, %lt3A_56 : vector<16xi32>
    %ge3A = arith.constant 5120 : i32
    %ge3A_58 = vector.broadcast %ge3A : i32 to vector<16xi32>
    %ge3A_59 = arith.cmpi sge, %sub3A_54, %ge3A_58 : vector<16xi32>
    %or3A = arith.ori %lt3A_57, %ge3A_59 : vector<16xi1>
    %jit3A = arith.constant 5120 : i32
    %broadcast_in_dim3A = vector.broadcast %jit3A : i32 to vector<16xi32>
    %select_n3A = arith.select %or3A, %broadcast_in_dim3A, %sub3A_54 : vector<16xi1>, vector<16xi32>
    %swap3A = arith.constant 0 : index
    %swap3A_60 = tpu.vector_load %arg12[%swap3A] {strides = array<i32>} : memref<80xi32, #tpu.memory_space<vmem>>, vector<16xi32>,
    %swap3A_61 = vector.shape_cast %swap3A_60 : vector<16xi32> to vector<16xi32>
    %swap3A_62 = vector.shape_cast %select_n3A : vector<16xi32> to vector<16xi32>
    tpu.vector_store %arg12[%swap3A], %swap3A_62 {strides = array<i32>} : memref<80xi32, #tpu.memory_space<vmem>>, vector<16xi32>,
    %get3A_63 = arith.constant 16 : index
    %get3A_64 = tpu.vector_load %arg12[%get3A_63] {strides = array<i32>} : memref<80xi32, #tpu.memory_space<vmem>>, vector<16xi32>,
    %get3A_65 = vector.shape_cast %get3A_64 : vector<16xi32> to vector<16xi32>
    %sub3A_66 = vector.broadcast %mul3A_0 : i32 to vector<16xi32>
    %sub3A_67 = arith.subi %get3A_65, %sub3A_66 : vector<16xi32>
    %lt3A_68 = arith.constant 0 : i32
    %lt3A_69 = vector.broadcast %lt3A_68 : i32 to vector<16xi32>
    %lt3A_70 = arith.cmpi slt, %sub3A_67, %lt3A_69 : vector<16xi32>
    %ge3A_71 = arith.constant 5120 : i32
    %ge3A_72 = vector.broadcast %ge3A_71 : i32 to vector<16xi32>
    %ge3A_73 = arith.cmpi sge, %sub3A_67, %ge3A_72 : vector<16xi32>
    %or3A_74 = arith.ori %lt3A_70, %ge3A_73 : vector<16xi1>
    %jit3A_75 = arith.constant 5120 : i32
    %broadcast_in_dim3A_76 = vector.broadcast %jit3A_75 : i32 to vector<16xi32>
    %select_n3A_77 = arith.select %or3A_74, %broadcast_in_dim3A_76, %sub3A_67 : vector<16xi1>, vector<16xi32>
    %swap3A_78 = arith.constant 16 : index
    %swap3A_79 = tpu.vector_load %arg12[%swap3A_78] {strides = array<i32>} : memref<80xi32, #tpu.memory_space<vmem>>, vector<16xi32>,
    %swap3A_80 = vector.shape_cast %swap3A_79 : vector<16xi32> to vector<16xi32>
    %swap3A_81 = vector.shape_cast %select_n3A_77 : vector<16xi32> to vector<16xi32>
    tpu.vector_store %arg12[%swap3A_78], %swap3A_81 {strides = array<i32>} : memref<80xi32, #tpu.memory_space<vmem>>, vector<16xi32>,
    %get3A_82 = arith.constant 32 : index
    %get3A_83 = tpu.vector_load %arg12[%get3A_82] {strides = array<i32>} : memref<80xi32, #tpu.memory_space<vmem>>, vector<16xi32>,
    %get3A_84 = vector.shape_cast %get3A_83 : vector<16xi32> to vector<16xi32>
    %sub3A_85 = vector.broadcast %mul3A_0 : i32 to vector<16xi32>
    %sub3A_86 = arith.subi %get3A_84, %sub3A_85 : vector<16xi32>
    %lt3A_87 = arith.constant 0 : i32
    %lt3A_88 = vector.broadcast %lt3A_87 : i32 to vector<16xi32>
    %lt3A_89 = arith.cmpi slt, %sub3A_86, %lt3A_88 : vector<16xi32>
    %ge3A_90 = arith.constant 5120 : i32
    %ge3A_91 = vector.broadcast %ge3A_90 : i32 to vector<16xi32>
    %ge3A_92 = arith.cmpi sge, %sub3A_86, %ge3A_91 : vector<16xi32>
    %or3A_93 = arith.ori %lt3A_89, %ge3A_92 : vector<16xi1>
    %jit3A_94 = arith.constant 5120 : i32
    %broadcast_in_dim3A_95 = vector.broadcast %jit3A_94 : i32 to vector<16xi32>
    %select_n3A_96 = arith.select %or3A_93, %broadcast_in_dim3A_95, %sub3A_86 : vector<16xi1>, vector<16xi32>
    %swap3A_97 = arith.constant 32 : index
    %swap3A_98 = tpu.vector_load %arg12[%swap3A_97] {strides = array<i32>} : memref<80xi32, #tpu.memory_space<vmem>>, vector<16xi32>,
    %swap3A_99 = vector.shape_cast %swap3A_98 : vector<16xi32> to vector<16xi32>
    %swap3A_100 = vector.shape_cast %select_n3A_96 : vector<16xi32> to vector<16xi32>
    tpu.vector_store %arg12[%swap3A_97], %swap3A_100 {strides = array<i32>} : memref<80xi32, #tpu.memory_space<vmem>>, vector<16xi32>,
    %get3A_101 = arith.constant 48 : index
    %get3A_102 = tpu.vector_load %arg12[%get3A_101] {strides = array<i32>} : memref<80xi32, #tpu.memory_space<vmem>>, vector<16xi32>,
    %get3A_103 = vector.shape_cast %get3A_102 : vector<16xi32> to vector<16xi32>
    %sub3A_104 = vector.broadcast %mul3A_0 : i32 to vector<16xi32>
    %sub3A_105 = arith.subi %get3A_103, %sub3A_104 : vector<16xi32>
    %lt3A_106 = arith.constant 0 : i32
    %lt3A_107 = vector.broadcast %lt3A_106 : i32 to vector<16xi32>
    %lt3A_108 = arith.cmpi slt, %sub3A_105, %lt3A_107 : vector<16xi32>
    %ge3A_109 = arith.constant 5120 : i32
    %ge3A_110 = vector.broadcast %ge3A_109 : i32 to vector<16xi32>
    %ge3A_111 = arith.cmpi sge, %sub3A_105, %ge3A_110 : vector<16xi32>
    %or3A_112 = arith.ori %lt3A_108, %ge3A_111 : vector<16xi1>
    %jit3A_113 = arith.constant 5120 : i32
    %broadcast_in_dim3A_114 = vector.broadcast %jit3A_113 : i32 to vector<16xi32>
    %select_n3A_115 = arith.select %or3A_112, %broadcast_in_dim3A_114, %sub3A_105 : vector<16xi1>, vector<16xi32>
    %swap3A_116 = arith.constant 48 : index
    %swap3A_117 = tpu.vector_load %arg12[%swap3A_116] {strides = array<i32>} : memref<80xi32, #tpu.memory_space<vmem>>, vector<16xi32>,
    %swap3A_118 = vector.shape_cast %swap3A_117 : vector<16xi32> to vector<16xi32>
    %swap3A_119 = vector.shape_cast %select_n3A_115 : vector<16xi32> to vector<16xi32>
    tpu.vector_store %arg12[%swap3A_116], %swap3A_119 {strides = array<i32>} : memref<80xi32, #tpu.memory_space<vmem>>, vector<16xi32>,
    %get3A_120 = arith.constant 64 : index
    %get3A_121 = tpu.vector_load %arg12[%get3A_120] {strides = array<i32>} : memref<80xi32, #tpu.memory_space<vmem>>, vector<16xi32>,
    %get3A_122 = vector.shape_cast %get3A_121 : vector<16xi32> to vector<16xi32>
    %sub3A_123 = vector.broadcast %mul3A_0 : i32 to vector<16xi32>
    %sub3A_124 = arith.subi %get3A_122, %sub3A_123 : vector<16xi32>
    %lt3A_125 = arith.constant 0 : i32
    %lt3A_126 = vector.broadcast %lt3A_125 : i32 to vector<16xi32>
    %lt3A_127 = arith.cmpi slt, %sub3A_124, %lt3A_126 : vector<16xi32>
    %ge3A_128 = arith.constant 5120 : i32
    %ge3A_129 = vector.broadcast %ge3A_128 : i32 to vector<16xi32>
    %ge3A_130 = arith.cmpi sge, %sub3A_124, %ge3A_129 : vector<16xi32>
    %or3A_131 = arith.ori %lt3A_127, %ge3A_130 : vector<16xi1>
    %jit3A_132 = arith.constant 5120 : i32
    %broadcast_in_dim3A_133 = vector.broadcast %jit3A_132 : i32 to vector<16xi32>
    %select_n3A_134 = arith.select %or3A_131, %broadcast_in_dim3A_133, %sub3A_124 : vector<16xi1>, vector<16xi32>
    %swap3A_135 = arith.constant 64 : index
    %swap3A_136 = tpu.vector_load %arg12[%swap3A_135] {strides = array<i32>} : memref<80xi32, #tpu.memory_space<vmem>>, vector<16xi32>,
    %swap3A_137 = vector.shape_cast %swap3A_136 : vector<16xi32> to vector<16xi32>
    %swap3A_138 = vector.shape_cast %select_n3A_134 : vector<16xi32> to vector<16xi32>
    tpu.vector_store %arg12[%swap3A_135], %swap3A_138 {strides = array<i32>} : memref<80xi32, #tpu.memory_space<vmem>>, vector<16xi32>,
    %scan3A = arith.constant 0 : i32
    %scan3A_139 = arith.constant 0 : i32
    %scan3A_140 = arith.constant 124 : i32
    %scan3A_141 = arith.addi %scan3A_139, %scan3A_140 : i32
    %scan3A_142 = arith.constant 1 : i32
    scf.for %scan3A_319 = %scan3A_139 to %scan3A_141 step %scan3A_142  : i32 {
      %mul3A_320 = arith.constant 2 : i32
      %mul3A_321 = arith.muli %mul3A_320, %scan3A_319 : i32
      %add3A_322 = arith.constant 1 : i32
      %add3A_323 = arith.addi %mul3A_321, %add3A_322 : i32
      %mul3A_324 = arith.constant 20000 : i32
      %mul3A_325 = arith.muli %arg1, %mul3A_324 : i32
      %mul3A_326 = arith.constant 80 : i32
      %mul3A_327 = arith.muli %add3A_323, %mul3A_326 : i32
      %add3A_328 = arith.addi %mul3A_325, %mul3A_327 : i32
      %dma_start3A_329 = tpu.memref_slice %arg4[%add3A_328] : memref<320000xi32, #tpu.memory_space<hbm>> -> memref<80xi32, #tpu.memory_space<hbm>>
      %dma_start3A_330 = tpu.memref_slice %arg4[%add3A_328] : memref<320000xi32, #tpu.memory_space<hbm>> -> memref<80xi32, #tpu.memory_space<hbm>>
      tpu.enqueue_dma source(%dma_start3A_330 : memref<80xi32, #tpu.memory_space<hbm>>) target(%arg13 : memref<80xi32, #tpu.memory_space<vmem>>) target_semaphore(%arg25 : memref<!tpu.dma_semaphore, #tpu.memory_space<semaphore_mem>>)
      %dma_start3A_331 = tpu.memref_slice %arg5[%add3A_328] : memref<320000xi32, #tpu.memory_space<hbm>> -> memref<80xi32, #tpu.memory_space<hbm>>
      %dma_start3A_332 = tpu.memref_slice %arg5[%add3A_328] : memref<320000xi32, #tpu.memory_space<hbm>> -> memref<80xi32, #tpu.memory_space<hbm>>
      tpu.enqueue_dma source(%dma_start3A_332 : memref<80xi32, #tpu.memory_space<hbm>>) target(%arg14 : memref<80xi32, #tpu.memory_space<vmem>>) target_semaphore(%arg25 : memref<!tpu.dma_semaphore, #tpu.memory_space<semaphore_mem>>)
      %dma_start3A_333 = tpu.memref_slice %arg6[%add3A_328] : memref<320000xi32, #tpu.memory_space<hbm>> -> memref<80xi32, #tpu.memory_space<hbm>>
      %dma_start3A_334 = tpu.memref_slice %arg6[%add3A_328] : memref<320000xi32, #tpu.memory_space<hbm>> -> memref<80xi32, #tpu.memory_space<hbm>>
      tpu.enqueue_dma source(%dma_start3A_334 : memref<80xi32, #tpu.memory_space<hbm>>) target(%arg15 : memref<80xi32, #tpu.memory_space<vmem>>) target_semaphore(%arg25 : memref<!tpu.dma_semaphore, #tpu.memory_space<semaphore_mem>>)
      %dma_wait3A_335 = tpu.memref_slice %arg4[%add3A_328] : memref<320000xi32, #tpu.memory_space<hbm>> -> memref<80xi32, #tpu.memory_space<hbm>>
      %dma_wait3A_336 = tpu.memref_slice %arg4[%add3A_328] : memref<320000xi32, #tpu.memory_space<hbm>> -> memref<80xi32, #tpu.memory_space<hbm>>
      tpu.wait_dma2 semaphore(%arg25 : memref<!tpu.dma_semaphore, #tpu.memory_space<semaphore_mem>>) src(%dma_wait3A_336 : memref<80xi32, #tpu.memory_space<hbm>>) dst(%arg13 : memref<80xi32, #tpu.memory_space<vmem>>)
      %dma_wait3A_337 = tpu.memref_slice %arg5[%add3A_328] : memref<320000xi32, #tpu.memory_space<hbm>> -> memref<80xi32, #tpu.memory_space<hbm>>
      %dma_wait3A_338 = tpu.memref_slice %arg5[%add3A_328] : memref<320000xi32, #tpu.memory_space<hbm>> -> memref<80xi32, #tpu.memory_space<hbm>>
      tpu.wait_dma2 semaphore(%arg25 : memref<!tpu.dma_semaphore, #tpu.memory_space<semaphore_mem>>) src(%dma_wait3A_338 : memref<80xi32, #tpu.memory_space<hbm>>) dst(%arg14 : memref<80xi32, #tpu.memory_space<vmem>>)
      %dma_wait3A_339 = tpu.memref_slice %arg6[%add3A_328] : memref<320000xi32, #tpu.memory_space<hbm>> -> memref<80xi32, #tpu.memory_space<hbm>>
      %dma_wait3A_340 = tpu.memref_slice %arg6[%add3A_328] : memref<320000xi32, #tpu.memory_space<hbm>> -> memref<80xi32, #tpu.memory_space<hbm>>
      tpu.wait_dma2 semaphore(%arg25 : memref<!tpu.dma_semaphore, #tpu.memory_space<semaphore_mem>>) src(%dma_wait3A_340 : memref<80xi32, #tpu.memory_space<hbm>>) dst(%arg15 : memref<80xi32, #tpu.memory_space<vmem>>)
      %dma_start3A_341 = arith.constant 0 : i32
      %dma_start3A_342 = arith.constant 0 : i32
      %dma_start3A_343 = tpu.memref_slice %arg2[%dma_start3A_341, %dma_start3A_342] : memref<1024x128xf32, #tpu.memory_space<hbm>> -> memref<1024x128xf32, #tpu.memory_space<hbm>>
      tpu.enqueue_indirect_dma source(%dma_start3A_343 : memref<1024x128xf32, #tpu.memory_space<hbm>>) target(%arg18 : memref<80x128xf32, #tpu.memory_space<vmem>>) offsets(%arg13 : memref<80xi32, #tpu.memory_space<vmem>>) semaphore(%arg22 : memref<!tpu.dma_semaphore, #tpu.memory_space<semaphore_mem>>)
      %dma_start3A_344 = arith.constant 0 : i32
      %dma_start3A_345 = arith.constant 0 : i32
      %dma_start3A_346 = tpu.memref_slice %arg3[%dma_start3A_344, %dma_start3A_345] : memref<20480x128xf32, #tpu.memory_space<hbm>> -> memref<20480x128xf32, #tpu.memory_space<hbm>>
      tpu.enqueue_indirect_dma source(%dma_start3A_346 : memref<20480x128xf32, #tpu.memory_space<hbm>>) target(%arg19 : memref<80x128xf32, #tpu.memory_space<vmem>>) offsets(%arg14 : memref<80xi32, #tpu.memory_space<vmem>>) semaphore(%arg23 : memref<!tpu.dma_semaphore, #tpu.memory_space<semaphore_mem>>)
      %get3A_347 = arith.constant 0 : index
      %get3A_348 = tpu.vector_load %arg15[%get3A_347] {strides = array<i32>} : memref<80xi32, #tpu.memory_space<vmem>>, vector<16xi32>,
      %get3A_349 = vector.shape_cast %get3A_348 : vector<16xi32> to vector<16xi32>
      %sub3A_350 = vector.broadcast %mul3A_0 : i32 to vector<16xi32>
      %sub3A_351 = arith.subi %get3A_349, %sub3A_350 : vector<16xi32>
      %lt3A_352 = arith.constant 0 : i32
      %lt3A_353 = vector.broadcast %lt3A_352 : i32 to vector<16xi32>
      %lt3A_354 = arith.cmpi slt, %sub3A_351, %lt3A_353 : vector<16xi32>
      %ge3A_355 = arith.constant 5120 : i32
      %ge3A_356 = vector.broadcast %ge3A_355 : i32 to vector<16xi32>
      %ge3A_357 = arith.cmpi sge, %sub3A_351, %ge3A_356 : vector<16xi32>
      %or3A_358 = arith.ori %lt3A_354, %ge3A_357 : vector<16xi1>
      %jit3A_359 = arith.constant 5120 : i32
      %broadcast_in_dim3A_360 = vector.broadcast %jit3A_359 : i32 to vector<16xi32>
      %select_n3A_361 = arith.select %or3A_358, %broadcast_in_dim3A_360, %sub3A_351 : vector<16xi1>, vector<16xi32>
      %swap3A_362 = arith.constant 0 : index
      %swap3A_363 = tpu.vector_load %arg15[%swap3A_362] {strides = array<i32>} : memref<80xi32, #tpu.memory_space<vmem>>, vector<16xi32>,
      %swap3A_364 = vector.shape_cast %swap3A_363 : vector<16xi32> to vector<16xi32>
      %swap3A_365 = vector.shape_cast %select_n3A_361 : vector<16xi32> to vector<16xi32>
      tpu.vector_store %arg15[%swap3A_362], %swap3A_365 {strides = array<i32>} : memref<80xi32, #tpu.memory_space<vmem>>, vector<16xi32>,
      %get3A_366 = arith.constant 16 : index
      %get3A_367 = tpu.vector_load %arg15[%get3A_366] {strides = array<i32>} : memref<80xi32, #tpu.memory_space<vmem>>, vector<16xi32>,
      %get3A_368 = vector.shape_cast %get3A_367 : vector<16xi32> to vector<16xi32>
      %sub3A_369 = vector.broadcast %mul3A_0 : i32 to vector<16xi32>
      %sub3A_370 = arith.subi %get3A_368, %sub3A_369 : vector<16xi32>
      %lt3A_371 = arith.constant 0 : i32
      %lt3A_372 = vector.broadcast %lt3A_371 : i32 to vector<16xi32>
      %lt3A_373 = arith.cmpi slt, %sub3A_370, %lt3A_372 : vector<16xi32>
      %ge3A_374 = arith.constant 5120 : i32
      %ge3A_375 = vector.broadcast %ge3A_374 : i32 to vector<16xi32>
      %ge3A_376 = arith.cmpi sge, %sub3A_370, %ge3A_375 : vector<16xi32>
      %or3A_377 = arith.ori %lt3A_373, %ge3A_376 : vector<16xi1>
      %jit3A_378 = arith.constant 5120 : i32
      %broadcast_in_dim3A_379 = vector.broadcast %jit3A_378 : i32 to vector<16xi32>
      %select_n3A_380 = arith.select %or3A_377, %broadcast_in_dim3A_379, %sub3A_370 : vector<16xi1>, vector<16xi32>
      %swap3A_381 = arith.constant 16 : index
      %swap3A_382 = tpu.vector_load %arg15[%swap3A_381] {strides = array<i32>} : memref<80xi32, #tpu.memory_space<vmem>>, vector<16xi32>,
      %swap3A_383 = vector.shape_cast %swap3A_382 : vector<16xi32> to vector<16xi32>
      %swap3A_384 = vector.shape_cast %select_n3A_380 : vector<16xi32> to vector<16xi32>
      tpu.vector_store %arg15[%swap3A_381], %swap3A_384 {strides = array<i32>} : memref<80xi32, #tpu.memory_space<vmem>>, vector<16xi32>,
      %get3A_385 = arith.constant 32 : index
      %get3A_386 = tpu.vector_load %arg15[%get3A_385] {strides = array<i32>} : memref<80xi32, #tpu.memory_space<vmem>>, vector<16xi32>,
      %get3A_387 = vector.shape_cast %get3A_386 : vector<16xi32> to vector<16xi32>
      %sub3A_388 = vector.broadcast %mul3A_0 : i32 to vector<16xi32>
      %sub3A_389 = arith.subi %get3A_387, %sub3A_388 : vector<16xi32>
      %lt3A_390 = arith.constant 0 : i32
      %lt3A_391 = vector.broadcast %lt3A_390 : i32 to vector<16xi32>
      %lt3A_392 = arith.cmpi slt, %sub3A_389, %lt3A_391 : vector<16xi32>
      %ge3A_393 = arith.constant 5120 : i32
      %ge3A_394 = vector.broadcast %ge3A_393 : i32 to vector<16xi32>
      %ge3A_395 = arith.cmpi sge, %sub3A_389, %ge3A_394 : vector<16xi32>
      %or3A_396 = arith.ori %lt3A_392, %ge3A_395 : vector<16xi1>
      %jit3A_397 = arith.constant 5120 : i32
      %broadcast_in_dim3A_398 = vector.broadcast %jit3A_397 : i32 to vector<16xi32>
      %select_n3A_399 = arith.select %or3A_396, %broadcast_in_dim3A_398, %sub3A_389 : vector<16xi1>, vector<16xi32>
      %swap3A_400 = arith.constant 32 : index
      %swap3A_401 = tpu.vector_load %arg15[%swap3A_400] {strides = array<i32>} : memref<80xi32, #tpu.memory_space<vmem>>, vector<16xi32>,
      %swap3A_402 = vector.shape_cast %swap3A_401 : vector<16xi32> to vector<16xi32>
      %swap3A_403 = vector.shape_cast %select_n3A_399 : vector<16xi32> to vector<16xi32>
      tpu.vector_store %arg15[%swap3A_400], %swap3A_403 {strides = array<i32>} : memref<80xi32, #tpu.memory_space<vmem>>, vector<16xi32>,
      %get3A_404 = arith.constant 48 : index
      %get3A_405 = tpu.vector_load %arg15[%get3A_404] {strides = array<i32>} : memref<80xi32, #tpu.memory_space<vmem>>, vector<16xi32>,
      %get3A_406 = vector.shape_cast %get3A_405 : vector<16xi32> to vector<16xi32>
      %sub3A_407 = vector.broadcast %mul3A_0 : i32 to vector<16xi32>
      %sub3A_408 = arith.subi %get3A_406, %sub3A_407 : vector<16xi32>
      %lt3A_409 = arith.constant 0 : i32
      %lt3A_410 = vector.broadcast %lt3A_409 : i32 to vector<16xi32>
      %lt3A_411 = arith.cmpi slt, %sub3A_408, %lt3A_410 : vector<16xi32>
      %ge3A_412 = arith.constant 5120 : i32
      %ge3A_413 = vector.broadcast %ge3A_412 : i32 to vector<16xi32>
      %ge3A_414 = arith.cmpi sge, %sub3A_408, %ge3A_413 : vector<16xi32>
      %or3A_415 = arith.ori %lt3A_411, %ge3A_414 : vector<16xi1>
      %jit3A_416 = arith.constant 5120 : i32
      %broadcast_in_dim3A_417 = vector.broadcast %jit3A_416 : i32 to vector<16xi32>
      %select_n3A_418 = arith.select %or3A_415, %broadcast_in_dim3A_417, %sub3A_408 : vector<16xi1>, vector<16xi32>
      %swap3A_419 = arith.constant 48 : index
      %swap3A_420 = tpu.vector_load %arg15[%swap3A_419] {strides = array<i32>} : memref<80xi32, #tpu.memory_space<vmem>>, vector<16xi32>,
      %swap3A_421 = vector.shape_cast %swap3A_420 : vector<16xi32> to vector<16xi32>
      %swap3A_422 = vector.shape_cast %select_n3A_418 : vector<16xi32> to vector<16xi32>
      tpu.vector_store %arg15[%swap3A_419], %swap3A_422 {strides = array<i32>} : memref<80xi32, #tpu.memory_space<vmem>>, vector<16xi32>,
      %get3A_423 = arith.constant 64 : index
      %get3A_424 = tpu.vector_load %arg15[%get3A_423] {strides = array<i32>} : memref<80xi32, #tpu.memory_space<vmem>>, vector<16xi32>,
      %get3A_425 = vector.shape_cast %get3A_424 : vector<16xi32> to vector<16xi32>
      %sub3A_426 = vector.broadcast %mul3A_0 : i32 to vector<16xi32>
      %sub3A_427 = arith.subi %get3A_425, %sub3A_426 : vector<16xi32>
      %lt3A_428 = arith.constant 0 : i32
      %lt3A_429 = vector.broadcast %lt3A_428 : i32 to vector<16xi32>
      %lt3A_430 = arith.cmpi slt, %sub3A_427, %lt3A_429 : vector<16xi32>
      %ge3A_431 = arith.constant 5120 : i32
      %ge3A_432 = vector.broadcast %ge3A_431 : i32 to vector<16xi32>
      %ge3A_433 = arith.cmpi sge, %sub3A_427, %ge3A_432 : vector<16xi32>
      %or3A_434 = arith.ori %lt3A_430, %ge3A_433 : vector<16xi1>
      %jit3A_435 = arith.constant 5120 : i32
      %broadcast_in_dim3A_436 = vector.broadcast %jit3A_435 : i32 to vector<16xi32>
      %select_n3A_437 = arith.select %or3A_434, %broadcast_in_dim3A_436, %sub3A_427 : vector<16xi1>, vector<16xi32>
      %swap3A_438 = arith.constant 64 : index
      %swap3A_439 = tpu.vector_load %arg15[%swap3A_438] {strides = array<i32>} : memref<80xi32, #tpu.memory_space<vmem>>, vector<16xi32>,
      %swap3A_440 = vector.shape_cast %swap3A_439 : vector<16xi32> to vector<16xi32>
      %swap3A_441 = vector.shape_cast %select_n3A_437 : vector<16xi32> to vector<16xi32>
      tpu.vector_store %arg15[%swap3A_438], %swap3A_441 {strides = array<i32>} : memref<80xi32, #tpu.memory_space<vmem>>, vector<16xi32>,
      %dma_wait3A_442 = arith.constant 0 : i32
      %dma_wait3A_443 = arith.constant 0 : i32
      %dma_wait3A_444 = tpu.memref_slice %arg2[%dma_wait3A_442, %dma_wait3A_443] : memref<1024x128xf32, #tpu.memory_space<hbm>> -> memref<1024x128xf32, #tpu.memory_space<hbm>>
      tpu.wait_indirect_dma semaphore(%arg20 : memref<!tpu.dma_semaphore, #tpu.memory_space<semaphore_mem>>) src(%dma_wait3A_444 : memref<1024x128xf32, #tpu.memory_space<hbm>>) dst(%arg16 : memref<80x128xf32, #tpu.memory_space<vmem>>)
      %dma_start3A_445 = arith.constant 0 : i32
      %dma_start3A_446 = arith.constant 0 : i32
      %dma_start3A_447 = tpu.memref_slice %arg9[%dma_start3A_445, %dma_start3A_446] : memref<5200x128xf32, #tpu.memory_space<vmem_shared>> -> memref<5200x128xf32, #tpu.memory_space<vmem_shared>>
      tpu.enqueue_indirect_dma source(%arg16 : memref<80x128xf32, #tpu.memory_space<vmem>>) target(%dma_start3A_447 : memref<5200x128xf32, #tpu.memory_space<vmem_shared>>) offsets(%arg12 : memref<80xi32, #tpu.memory_space<vmem>>) semaphore(%arg24 : memref<!tpu.dma_semaphore, #tpu.memory_space<semaphore_mem>>) {add = true}
      %dma_wait3A_448 = arith.constant 0 : i32
      %dma_wait3A_449 = arith.constant 0 : i32
      %dma_wait3A_450 = tpu.memref_slice %arg3[%dma_wait3A_448, %dma_wait3A_449] : memref<20480x128xf32, #tpu.memory_space<hbm>> -> memref<20480x128xf32, #tpu.memory_space<hbm>>
      tpu.wait_indirect_dma semaphore(%arg21 : memref<!tpu.dma_semaphore, #tpu.memory_space<semaphore_mem>>) src(%dma_wait3A_450 : memref<20480x128xf32, #tpu.memory_space<hbm>>) dst(%arg17 : memref<80x128xf32, #tpu.memory_space<vmem>>)
      %dma_start3A_451 = arith.constant 0 : i32
      %dma_start3A_452 = arith.constant 0 : i32
      %dma_start3A_453 = tpu.memref_slice %arg9[%dma_start3A_451, %dma_start3A_452] : memref<5200x128xf32, #tpu.memory_space<vmem_shared>> -> memref<5200x128xf32, #tpu.memory_space<vmem_shared>>
      tpu.enqueue_indirect_dma source(%arg17 : memref<80x128xf32, #tpu.memory_space<vmem>>) target(%dma_start3A_453 : memref<5200x128xf32, #tpu.memory_space<vmem_shared>>) offsets(%arg12 : memref<80xi32, #tpu.memory_space<vmem>>) semaphore(%arg24 : memref<!tpu.dma_semaphore, #tpu.memory_space<semaphore_mem>>) {add = true}
      %dma_wait3A_454 = arith.constant 0 : i32
      %dma_wait3A_455 = arith.constant 0 : i32
      %dma_wait3A_456 = tpu.memref_slice %arg9[%dma_wait3A_454, %dma_wait3A_455] : memref<5200x128xf32, #tpu.memory_space<vmem_shared>> -> memref<5200x128xf32, #tpu.memory_space<vmem_shared>>
      tpu.wait_indirect_dma semaphore(%arg24 : memref<!tpu.dma_semaphore, #tpu.memory_space<semaphore_mem>>) src(%arg16 : memref<80x128xf32, #tpu.memory_space<vmem>>) dst(%dma_wait3A_456 : memref<5200x128xf32, #tpu.memory_space<vmem_shared>>)
      %dma_wait3A_457 = arith.constant 0 : i32
      %dma_wait3A_458 = arith.constant 0 : i32
      %dma_wait3A_459 = tpu.memref_slice %arg9[%dma_wait3A_457, %dma_wait3A_458] : memref<5200x128xf32, #tpu.memory_space<vmem_shared>> -> memref<5200x128xf32, #tpu.memory_space<vmem_shared>>
      tpu.wait_indirect_dma semaphore(%arg24 : memref<!tpu.dma_semaphore, #tpu.memory_space<semaphore_mem>>) src(%arg17 : memref<80x128xf32, #tpu.memory_space<vmem>>) dst(%dma_wait3A_459 : memref<5200x128xf32, #tpu.memory_space<vmem_shared>>)
      %add3A_460 = arith.constant 1 : i32
      %add3A_461 = arith.addi %add3A_323, %add3A_460 : i32
      %mul3A_462 = arith.constant 20000 : i32
      %mul3A_463 = arith.muli %arg1, %mul3A_462 : i32
      %mul3A_464 = arith.constant 80 : i32
      %mul3A_465 = arith.muli %add3A_461, %mul3A_464 : i32
      %add3A_466 = arith.addi %mul3A_463, %mul3A_465 : i32
      %dma_start3A_467 = tpu.memref_slice %arg4[%add3A_466] : memref<320000xi32, #tpu.memory_space<hbm>> -> memref<80xi32, #tpu.memory_space<hbm>>
      %dma_start3A_468 = tpu.memref_slice %arg4[%add3A_466] : memref<320000xi32, #tpu.memory_space<hbm>> -> memref<80xi32, #tpu.memory_space<hbm>>
      tpu.enqueue_dma source(%dma_start3A_468 : memref<80xi32, #tpu.memory_space<hbm>>) target(%arg10 : memref<80xi32, #tpu.memory_space<vmem>>) target_semaphore(%arg24 : memref<!tpu.dma_semaphore, #tpu.memory_space<semaphore_mem>>)
      %dma_start3A_469 = tpu.memref_slice %arg5[%add3A_466] : memref<320000xi32, #tpu.memory_space<hbm>> -> memref<80xi32, #tpu.memory_space<hbm>>
      %dma_start3A_470 = tpu.memref_slice %arg5[%add3A_466] : memref<320000xi32, #tpu.memory_space<hbm>> -> memref<80xi32, #tpu.memory_space<hbm>>
      tpu.enqueue_dma source(%dma_start3A_470 : memref<80xi32, #tpu.memory_space<hbm>>) target(%arg11 : memref<80xi32, #tpu.memory_space<vmem>>) target_semaphore(%arg24 : memref<!tpu.dma_semaphore, #tpu.memory_space<semaphore_mem>>)
      %dma_start3A_471 = tpu.memref_slice %arg6[%add3A_466] : memref<320000xi32, #tpu.memory_space<hbm>> -> memref<80xi32, #tpu.memory_space<hbm>>
      %dma_start3A_472 = tpu.memref_slice %arg6[%add3A_466] : memref<320000xi32, #tpu.memory_space<hbm>> -> memref<80xi32, #tpu.memory_space<hbm>>
      tpu.enqueue_dma source(%dma_start3A_472 : memref<80xi32, #tpu.memory_space<hbm>>) target(%arg12 : memref<80xi32, #tpu.memory_space<vmem>>) target_semaphore(%arg24 : memref<!tpu.dma_semaphore, #tpu.memory_space<semaphore_mem>>)
      %dma_wait3A_473 = tpu.memref_slice %arg4[%add3A_466] : memref<320000xi32, #tpu.memory_space<hbm>> -> memref<80xi32, #tpu.memory_space<hbm>>
      %dma_wait3A_474 = tpu.memref_slice %arg4[%add3A_466] : memref<320000xi32, #tpu.memory_space<hbm>> -> memref<80xi32, #tpu.memory_space<hbm>>
      tpu.wait_dma2 semaphore(%arg24 : memref<!tpu.dma_semaphore, #tpu.memory_space<semaphore_mem>>) src(%dma_wait3A_474 : memref<80xi32, #tpu.memory_space<hbm>>) dst(%arg10 : memref<80xi32, #tpu.memory_space<vmem>>)
      %dma_wait3A_475 = tpu.memref_slice %arg5[%add3A_466] : memref<320000xi32, #tpu.memory_space<hbm>> -> memref<80xi32, #tpu.memory_space<hbm>>
      %dma_wait3A_476 = tpu.memref_slice %arg5[%add3A_466] : memref<320000xi32, #tpu.memory_space<hbm>> -> memref<80xi32, #tpu.memory_space<hbm>>
      tpu.wait_dma2 semaphore(%arg24 : memref<!tpu.dma_semaphore, #tpu.memory_space<semaphore_mem>>) src(%dma_wait3A_476 : memref<80xi32, #tpu.memory_space<hbm>>) dst(%arg11 : memref<80xi32, #tpu.memory_space<vmem>>)
      %dma_wait3A_477 = tpu.memref_slice %arg6[%add3A_466] : memref<320000xi32, #tpu.memory_space<hbm>> -> memref<80xi32, #tpu.memory_space<hbm>>
      %dma_wait3A_478 = tpu.memref_slice %arg6[%add3A_466] : memref<320000xi32, #tpu.memory_space<hbm>> -> memref<80xi32, #tpu.memory_space<hbm>>
      tpu.wait_dma2 semaphore(%arg24 : memref<!tpu.dma_semaphore, #tpu.memory_space<semaphore_mem>>) src(%dma_wait3A_478 : memref<80xi32, #tpu.memory_space<hbm>>) dst(%arg12 : memref<80xi32, #tpu.memory_space<vmem>>)
      %dma_start3A_479 = arith.constant 0 : i32
      %dma_start3A_480 = arith.constant 0 : i32
      %dma_start3A_481 = tpu.memref_slice %arg2[%dma_start3A_479, %dma_start3A_480] : memref<1024x128xf32, #tpu.memory_space<hbm>> -> memref<1024x128xf32, #tpu.memory_space<hbm>>
      tpu.enqueue_indirect_dma source(%dma_start3A_481 : memref<1024x128xf32, #tpu.memory_space<hbm>>) target(%arg16 : memref<80x128xf32, #tpu.memory_space<vmem>>) offsets(%arg10 : memref<80xi32, #tpu.memory_space<vmem>>) semaphore(%arg20 : memref<!tpu.dma_semaphore, #tpu.memory_space<semaphore_mem>>)
      %dma_start3A_482 = arith.constant 0 : i32
      %dma_start3A_483 = arith.constant 0 : i32
      %dma_start3A_484 = tpu.memref_slice %arg3[%dma_start3A_482, %dma_start3A_483] : memref<20480x128xf32, #tpu.memory_space<hbm>> -> memref<20480x128xf32, #tpu.memory_space<hbm>>
      tpu.enqueue_indirect_dma source(%dma_start3A_484 : memref<20480x128xf32, #tpu.memory_space<hbm>>) target(%arg17 : memref<80x128xf32, #tpu.memory_space<vmem>>) offsets(%arg11 : memref<80xi32, #tpu.memory_space<vmem>>) semaphore(%arg21 : memref<!tpu.dma_semaphore, #tpu.memory_space<semaphore_mem>>)
      %get3A_485 = arith.constant 0 : index
      %get3A_486 = tpu.vector_load %arg12[%get3A_485] {strides = array<i32>} : memref<80xi32, #tpu.memory_space<vmem>>, vector<16xi32>,
      %get3A_487 = vector.shape_cast %get3A_486 : vector<16xi32> to vector<16xi32>
      %sub3A_488 = vector.broadcast %mul3A_0 : i32 to vector<16xi32>
      %sub3A_489 = arith.subi %get3A_487, %sub3A_488 : vector<16xi32>
      %lt3A_490 = arith.constant 0 : i32
      %lt3A_491 = vector.broadcast %lt3A_490 : i32 to vector<16xi32>
      %lt3A_492 = arith.cmpi slt, %sub3A_489, %lt3A_491 : vector<16xi32>
      %ge3A_493 = arith.constant 5120 : i32
      %ge3A_494 = vector.broadcast %ge3A_493 : i32 to vector<16xi32>
      %ge3A_495 = arith.cmpi sge, %sub3A_489, %ge3A_494 : vector<16xi32>
      %or3A_496 = arith.ori %lt3A_492, %ge3A_495 : vector<16xi1>
      %jit3A_497 = arith.constant 5120 : i32
      %broadcast_in_dim3A_498 = vector.broadcast %jit3A_497 : i32 to vector<16xi32>
      %select_n3A_499 = arith.select %or3A_496, %broadcast_in_dim3A_498, %sub3A_489 : vector<16xi1>, vector<16xi32>
      %swap3A_500 = arith.constant 0 : index
      %swap3A_501 = tpu.vector_load %arg12[%swap3A_500] {strides = array<i32>} : memref<80xi32, #tpu.memory_space<vmem>>, vector<16xi32>,
      %swap3A_502 = vector.shape_cast %swap3A_501 : vector<16xi32> to vector<16xi32>
      %swap3A_503 = vector.shape_cast %select_n3A_499 : vector<16xi32> to vector<16xi32>
      tpu.vector_store %arg12[%swap3A_500], %swap3A_503 {strides = array<i32>} : memref<80xi32, #tpu.memory_space<vmem>>, vector<16xi32>,
      %get3A_504 = arith.constant 16 : index
      %get3A_505 = tpu.vector_load %arg12[%get3A_504] {strides = array<i32>} : memref<80xi32, #tpu.memory_space<vmem>>, vector<16xi32>,
      %get3A_506 = vector.shape_cast %get3A_505 : vector<16xi32> to vector<16xi32>
      %sub3A_507 = vector.broadcast %mul3A_0 : i32 to vector<16xi32>
      %sub3A_508 = arith.subi %get3A_506, %sub3A_507 : vector<16xi32>
      %lt3A_509 = arith.constant 0 : i32
      %lt3A_510 = vector.broadcast %lt3A_509 : i32 to vector<16xi32>
      %lt3A_511 = arith.cmpi slt, %sub3A_508, %lt3A_510 : vector<16xi32>
      %ge3A_512 = arith.constant 5120 : i32
      %ge3A_513 = vector.broadcast %ge3A_512 : i32 to vector<16xi32>
      %ge3A_514 = arith.cmpi sge, %sub3A_508, %ge3A_513 : vector<16xi32>
      %or3A_515 = arith.ori %lt3A_511, %ge3A_514 : vector<16xi1>
      %jit3A_516 = arith.constant 5120 : i32
      %broadcast_in_dim3A_517 = vector.broadcast %jit3A_516 : i32 to vector<16xi32>
      %select_n3A_518 = arith.select %or3A_515, %broadcast_in_dim3A_517, %sub3A_508 : vector<16xi1>, vector<16xi32>
      %swap3A_519 = arith.constant 16 : index
      %swap3A_520 = tpu.vector_load %arg12[%swap3A_519] {strides = array<i32>} : memref<80xi32, #tpu.memory_space<vmem>>, vector<16xi32>,
      %swap3A_521 = vector.shape_cast %swap3A_520 : vector<16xi32> to vector<16xi32>
      %swap3A_522 = vector.shape_cast %select_n3A_518 : vector<16xi32> to vector<16xi32>
      tpu.vector_store %arg12[%swap3A_519], %swap3A_522 {strides = array<i32>} : memref<80xi32, #tpu.memory_space<vmem>>, vector<16xi32>,
      %get3A_523 = arith.constant 32 : index
      %get3A_524 = tpu.vector_load %arg12[%get3A_523] {strides = array<i32>} : memref<80xi32, #tpu.memory_space<vmem>>, vector<16xi32>,
      %get3A_525 = vector.shape_cast %get3A_524 : vector<16xi32> to vector<16xi32>
      %sub3A_526 = vector.broadcast %mul3A_0 : i32 to vector<16xi32>
      %sub3A_527 = arith.subi %get3A_525, %sub3A_526 : vector<16xi32>
      %lt3A_528 = arith.constant 0 : i32
      %lt3A_529 = vector.broadcast %lt3A_528 : i32 to vector<16xi32>
      %lt3A_530 = arith.cmpi slt, %sub3A_527, %lt3A_529 : vector<16xi32>
      %ge3A_531 = arith.constant 5120 : i32
      %ge3A_532 = vector.broadcast %ge3A_531 : i32 to vector<16xi32>
      %ge3A_533 = arith.cmpi sge, %sub3A_527, %ge3A_532 : vector<16xi32>
      %or3A_534 = arith.ori %lt3A_530, %ge3A_533 : vector<16xi1>
      %jit3A_535 = arith.constant 5120 : i32
      %broadcast_in_dim3A_536 = vector.broadcast %jit3A_535 : i32 to vector<16xi32>
      %select_n3A_537 = arith.select %or3A_534, %broadcast_in_dim3A_536, %sub3A_527 : vector<16xi1>, vector<16xi32>
      %swap3A_538 = arith.constant 32 : index
      %swap3A_539 = tpu.vector_load %arg12[%swap3A_538] {strides = array<i32>} : memref<80xi32, #tpu.memory_space<vmem>>, vector<16xi32>,
      %swap3A_540 = vector.shape_cast %swap3A_539 : vector<16xi32> to vector<16xi32>
      %swap3A_541 = vector.shape_cast %select_n3A_537 : vector<16xi32> to vector<16xi32>
      tpu.vector_store %arg12[%swap3A_538], %swap3A_541 {strides = array<i32>} : memref<80xi32, #tpu.memory_space<vmem>>, vector<16xi32>,
      %get3A_542 = arith.constant 48 : index
      %get3A_543 = tpu.vector_load %arg12[%get3A_542] {strides = array<i32>} : memref<80xi32, #tpu.memory_space<vmem>>, vector<16xi32>,
      %get3A_544 = vector.shape_cast %get3A_543 : vector<16xi32> to vector<16xi32>
      %sub3A_545 = vector.broadcast %mul3A_0 : i32 to vector<16xi32>
      %sub3A_546 = arith.subi %get3A_544, %sub3A_545 : vector<16xi32>
      %lt3A_547 = arith.constant 0 : i32
      %lt3A_548 = vector.broadcast %lt3A_547 : i32 to vector<16xi32>
      %lt3A_549 = arith.cmpi slt, %sub3A_546, %lt3A_548 : vector<16xi32>
      %ge3A_550 = arith.constant 5120 : i32
      %ge3A_551 = vector.broadcast %ge3A_550 : i32 to vector<16xi32>
      %ge3A_552 = arith.cmpi sge, %sub3A_546, %ge3A_551 : vector<16xi32>
      %or3A_553 = arith.ori %lt3A_549, %ge3A_552 : vector<16xi1>
      %jit3A_554 = arith.constant 5120 : i32
      %broadcast_in_dim3A_555 = vector.broadcast %jit3A_554 : i32 to vector<16xi32>
      %select_n3A_556 = arith.select %or3A_553, %broadcast_in_dim3A_555, %sub3A_546 : vector<16xi1>, vector<16xi32>
      %swap3A_557 = arith.constant 48 : index
      %swap3A_558 = tpu.vector_load %arg12[%swap3A_557] {strides = array<i32>} : memref<80xi32, #tpu.memory_space<vmem>>, vector<16xi32>,
      %swap3A_559 = vector.shape_cast %swap3A_558 : vector<16xi32> to vector<16xi32>
      %swap3A_560 = vector.shape_cast %select_n3A_556 : vector<16xi32> to vector<16xi32>
      tpu.vector_store %arg12[%swap3A_557], %swap3A_560 {strides = array<i32>} : memref<80xi32, #tpu.memory_space<vmem>>, vector<16xi32>,
      %get3A_561 = arith.constant 64 : index
      %get3A_562 = tpu.vector_load %arg12[%get3A_561] {strides = array<i32>} : memref<80xi32, #tpu.memory_space<vmem>>, vector<16xi32>,
      %get3A_563 = vector.shape_cast %get3A_562 : vector<16xi32> to vector<16xi32>
      %sub3A_564 = vector.broadcast %mul3A_0 : i32 to vector<16xi32>
      %sub3A_565 = arith.subi %get3A_563, %sub3A_564 : vector<16xi32>
      %lt3A_566 = arith.constant 0 : i32
      %lt3A_567 = vector.broadcast %lt3A_566 : i32 to vector<16xi32>
      %lt3A_568 = arith.cmpi slt, %sub3A_565, %lt3A_567 : vector<16xi32>
      %ge3A_569 = arith.constant 5120 : i32
      %ge3A_570 = vector.broadcast %ge3A_569 : i32 to vector<16xi32>
      %ge3A_571 = arith.cmpi sge, %sub3A_565, %ge3A_570 : vector<16xi32>
      %or3A_572 = arith.ori %lt3A_568, %ge3A_571 : vector<16xi1>
      %jit3A_573 = arith.constant 5120 : i32
      %broadcast_in_dim3A_574 = vector.broadcast %jit3A_573 : i32 to vector<16xi32>
      %select_n3A_575 = arith.select %or3A_572, %broadcast_in_dim3A_574, %sub3A_565 : vector<16xi1>, vector<16xi32>
      %swap3A_576 = arith.constant 64 : index
      %swap3A_577 = tpu.vector_load %arg12[%swap3A_576] {strides = array<i32>} : memref<80xi32, #tpu.memory_space<vmem>>, vector<16xi32>,
      %swap3A_578 = vector.shape_cast %swap3A_577 : vector<16xi32> to vector<16xi32>
      %swap3A_579 = vector.shape_cast %select_n3A_575 : vector<16xi32> to vector<16xi32>
      tpu.vector_store %arg12[%swap3A_576], %swap3A_579 {strides = array<i32>} : memref<80xi32, #tpu.memory_space<vmem>>, vector<16xi32>,
      %dma_wait3A_580 = arith.constant 0 : i32
      %dma_wait3A_581 = arith.constant 0 : i32
      %dma_wait3A_582 = tpu.memref_slice %arg2[%dma_wait3A_580, %dma_wait3A_581] : memref<1024x128xf32, #tpu.memory_space<hbm>> -> memref<1024x128xf32, #tpu.memory_space<hbm>>
      tpu.wait_indirect_dma semaphore(%arg22 : memref<!tpu.dma_semaphore, #tpu.memory_space<semaphore_mem>>) src(%dma_wait3A_582 : memref<1024x128xf32, #tpu.memory_space<hbm>>) dst(%arg18 : memref<80x128xf32, #tpu.memory_space<vmem>>)
      %dma_start3A_583 = arith.constant 0 : i32
      %dma_start3A_584 = arith.constant 0 : i32
      %dma_start3A_585 = tpu.memref_slice %arg9[%dma_start3A_583, %dma_start3A_584] : memref<5200x128xf32, #tpu.memory_space<vmem_shared>> -> memref<5200x128xf32, #tpu.memory_space<vmem_shared>>
      tpu.enqueue_indirect_dma source(%arg18 : memref<80x128xf32, #tpu.memory_space<vmem>>) target(%dma_start3A_585 : memref<5200x128xf32, #tpu.memory_space<vmem_shared>>) offsets(%arg15 : memref<80xi32, #tpu.memory_space<vmem>>) semaphore(%arg25 : memref<!tpu.dma_semaphore, #tpu.memory_space<semaphore_mem>>) {add = true}
      %dma_wait3A_586 = arith.constant 0 : i32
      %dma_wait3A_587 = arith.constant 0 : i32
      %dma_wait3A_588 = tpu.memref_slice %arg3[%dma_wait3A_586, %dma_wait3A_587] : memref<20480x128xf32, #tpu.memory_space<hbm>> -> memref<20480x128xf32, #tpu.memory_space<hbm>>
      tpu.wait_indirect_dma semaphore(%arg23 : memref<!tpu.dma_semaphore, #tpu.memory_space<semaphore_mem>>) src(%dma_wait3A_588 : memref<20480x128xf32, #tpu.memory_space<hbm>>) dst(%arg19 : memref<80x128xf32, #tpu.memory_space<vmem>>)
      %dma_start3A_589 = arith.constant 0 : i32
      %dma_start3A_590 = arith.constant 0 : i32
      %dma_start3A_591 = tpu.memref_slice %arg9[%dma_start3A_589, %dma_start3A_590] : memref<5200x128xf32, #tpu.memory_space<vmem_shared>> -> memref<5200x128xf32, #tpu.memory_space<vmem_shared>>
      tpu.enqueue_indirect_dma source(%arg19 : memref<80x128xf32, #tpu.memory_space<vmem>>) target(%dma_start3A_591 : memref<5200x128xf32, #tpu.memory_space<vmem_shared>>) offsets(%arg15 : memref<80xi32, #tpu.memory_space<vmem>>) semaphore(%arg25 : memref<!tpu.dma_semaphore, #tpu.memory_space<semaphore_mem>>) {add = true}
      %dma_wait3A_592 = arith.constant 0 : i32
      %dma_wait3A_593 = arith.constant 0 : i32
      %dma_wait3A_594 = tpu.memref_slice %arg9[%dma_wait3A_592, %dma_wait3A_593] : memref<5200x128xf32, #tpu.memory_space<vmem_shared>> -> memref<5200x128xf32, #tpu.memory_space<vmem_shared>>
      tpu.wait_indirect_dma semaphore(%arg25 : memref<!tpu.dma_semaphore, #tpu.memory_space<semaphore_mem>>) src(%arg18 : memref<80x128xf32, #tpu.memory_space<vmem>>) dst(%dma_wait3A_594 : memref<5200x128xf32, #tpu.memory_space<vmem_shared>>)
      %dma_wait3A_595 = arith.constant 0 : i32
      %dma_wait3A_596 = arith.constant 0 : i32
      %dma_wait3A_597 = tpu.memref_slice %arg9[%dma_wait3A_595, %dma_wait3A_596] : memref<5200x128xf32, #tpu.memory_space<vmem_shared>> -> memref<5200x128xf32, #tpu.memory_space<vmem_shared>>
      tpu.wait_indirect_dma semaphore(%arg25 : memref<!tpu.dma_semaphore, #tpu.memory_space<semaphore_mem>>) src(%arg19 : memref<80x128xf32, #tpu.memory_space<vmem>>) dst(%dma_wait3A_597 : memref<5200x128xf32, #tpu.memory_space<vmem_shared>>)
    }
    %scan3A_143 = arith.constant 124 : i32
    %mul3A_144 = arith.constant 20000 : i32
    %mul3A_145 = arith.muli %arg1, %mul3A_144 : i32
    %add3A_146 = arith.constant 19920 : i32
    %add3A_147 = arith.addi %mul3A_145, %add3A_146 : i32
    %dma_start3A_148 = tpu.memref_slice %arg4[%add3A_147] : memref<320000xi32, #tpu.memory_space<hbm>> -> memref<80xi32, #tpu.memory_space<hbm>>
    %dma_start3A_149 = tpu.memref_slice %arg4[%add3A_147] : memref<320000xi32, #tpu.memory_space<hbm>> -> memref<80xi32, #tpu.memory_space<hbm>>
    tpu.enqueue_dma source(%dma_start3A_149 : memref<80xi32, #tpu.memory_space<hbm>>) target(%arg13 : memref<80xi32, #tpu.memory_space<vmem>>) target_semaphore(%arg25 : memref<!tpu.dma_semaphore, #tpu.memory_space<semaphore_mem>>)
    %dma_start3A_150 = tpu.memref_slice %arg5[%add3A_147] : memref<320000xi32, #tpu.memory_space<hbm>> -> memref<80xi32, #tpu.memory_space<hbm>>
    %dma_start3A_151 = tpu.memref_slice %arg5[%add3A_147] : memref<320000xi32, #tpu.memory_space<hbm>> -> memref<80xi32, #tpu.memory_space<hbm>>
    tpu.enqueue_dma source(%dma_start3A_151 : memref<80xi32, #tpu.memory_space<hbm>>) target(%arg14 : memref<80xi32, #tpu.memory_space<vmem>>) target_semaphore(%arg25 : memref<!tpu.dma_semaphore, #tpu.memory_space<semaphore_mem>>)
    %dma_start3A_152 = tpu.memref_slice %arg6[%add3A_147] : memref<320000xi32, #tpu.memory_space<hbm>> -> memref<80xi32, #tpu.memory_space<hbm>>
    %dma_start3A_153 = tpu.memref_slice %arg6[%add3A_147] : memref<320000xi32, #tpu.memory_space<hbm>> -> memref<80xi32, #tpu.memory_space<hbm>>
    tpu.enqueue_dma source(%dma_start3A_153 : memref<80xi32, #tpu.memory_space<hbm>>) target(%arg15 : memref<80xi32, #tpu.memory_space<vmem>>) target_semaphore(%arg25 : memref<!tpu.dma_semaphore, #tpu.memory_space<semaphore_mem>>)
    %dma_wait3A_154 = tpu.memref_slice %arg4[%add3A_147] : memref<320000xi32, #tpu.memory_space<hbm>> -> memref<80xi32, #tpu.memory_space<hbm>>
    %dma_wait3A_155 = tpu.memref_slice %arg4[%add3A_147] : memref<320000xi32, #tpu.memory_space<hbm>> -> memref<80xi32, #tpu.memory_space<hbm>>
    tpu.wait_dma2 semaphore(%arg25 : memref<!tpu.dma_semaphore, #tpu.memory_space<semaphore_mem>>) src(%dma_wait3A_155 : memref<80xi32, #tpu.memory_space<hbm>>) dst(%arg13 : memref<80xi32, #tpu.memory_space<vmem>>)
    %dma_wait3A_156 = tpu.memref_slice %arg5[%add3A_147] : memref<320000xi32, #tpu.memory_space<hbm>> -> memref<80xi32, #tpu.memory_space<hbm>>
    %dma_wait3A_157 = tpu.memref_slice %arg5[%add3A_147] : memref<320000xi32, #tpu.memory_space<hbm>> -> memref<80xi32, #tpu.memory_space<hbm>>
    tpu.wait_dma2 semaphore(%arg25 : memref<!tpu.dma_semaphore, #tpu.memory_space<semaphore_mem>>) src(%dma_wait3A_157 : memref<80xi32, #tpu.memory_space<hbm>>) dst(%arg14 : memref<80xi32, #tpu.memory_space<vmem>>)
    %dma_wait3A_158 = tpu.memref_slice %arg6[%add3A_147] : memref<320000xi32, #tpu.memory_space<hbm>> -> memref<80xi32, #tpu.memory_space<hbm>>
    %dma_wait3A_159 = tpu.memref_slice %arg6[%add3A_147] : memref<320000xi32, #tpu.memory_space<hbm>> -> memref<80xi32, #tpu.memory_space<hbm>>
    tpu.wait_dma2 semaphore(%arg25 : memref<!tpu.dma_semaphore, #tpu.memory_space<semaphore_mem>>) src(%dma_wait3A_159 : memref<80xi32, #tpu.memory_space<hbm>>) dst(%arg15 : memref<80xi32, #tpu.memory_space<vmem>>)
    %dma_start3A_160 = arith.constant 0 : i32
    %dma_start3A_161 = arith.constant 0 : i32
    %dma_start3A_162 = tpu.memref_slice %arg2[%dma_start3A_160, %dma_start3A_161] : memref<1024x128xf32, #tpu.memory_space<hbm>> -> memref<1024x128xf32, #tpu.memory_space<hbm>>
    tpu.enqueue_indirect_dma source(%dma_start3A_162 : memref<1024x128xf32, #tpu.memory_space<hbm>>) target(%arg18 : memref<80x128xf32, #tpu.memory_space<vmem>>) offsets(%arg13 : memref<80xi32, #tpu.memory_space<vmem>>) semaphore(%arg22 : memref<!tpu.dma_semaphore, #tpu.memory_space<semaphore_mem>>)
    %dma_start3A_163 = arith.constant 0 : i32
    %dma_start3A_164 = arith.constant 0 : i32
    %dma_start3A_165 = tpu.memref_slice %arg3[%dma_start3A_163, %dma_start3A_164] : memref<20480x128xf32, #tpu.memory_space<hbm>> -> memref<20480x128xf32, #tpu.memory_space<hbm>>
    tpu.enqueue_indirect_dma source(%dma_start3A_165 : memref<20480x128xf32, #tpu.memory_space<hbm>>) target(%arg19 : memref<80x128xf32, #tpu.memory_space<vmem>>) offsets(%arg14 : memref<80xi32, #tpu.memory_space<vmem>>) semaphore(%arg23 : memref<!tpu.dma_semaphore, #tpu.memory_space<semaphore_mem>>)
    %get3A_166 = arith.constant 0 : index
    %get3A_167 = tpu.vector_load %arg15[%get3A_166] {strides = array<i32>} : memref<80xi32, #tpu.memory_space<vmem>>, vector<16xi32>,
    %get3A_168 = vector.shape_cast %get3A_167 : vector<16xi32> to vector<16xi32>
    %sub3A_169 = vector.broadcast %mul3A_0 : i32 to vector<16xi32>
    %sub3A_170 = arith.subi %get3A_168, %sub3A_169 : vector<16xi32>
    %lt3A_171 = arith.constant 0 : i32
    %lt3A_172 = vector.broadcast %lt3A_171 : i32 to vector<16xi32>
    %lt3A_173 = arith.cmpi slt, %sub3A_170, %lt3A_172 : vector<16xi32>
    %ge3A_174 = arith.constant 5120 : i32
    %ge3A_175 = vector.broadcast %ge3A_174 : i32 to vector<16xi32>
    %ge3A_176 = arith.cmpi sge, %sub3A_170, %ge3A_175 : vector<16xi32>
    %or3A_177 = arith.ori %lt3A_173, %ge3A_176 : vector<16xi1>
    %jit3A_178 = arith.constant 5120 : i32
    %broadcast_in_dim3A_179 = vector.broadcast %jit3A_178 : i32 to vector<16xi32>
    %select_n3A_180 = arith.select %or3A_177, %broadcast_in_dim3A_179, %sub3A_170 : vector<16xi1>, vector<16xi32>
    %swap3A_181 = arith.constant 0 : index
    %swap3A_182 = tpu.vector_load %arg15[%swap3A_181] {strides = array<i32>} : memref<80xi32, #tpu.memory_space<vmem>>, vector<16xi32>,
    %swap3A_183 = vector.shape_cast %swap3A_182 : vector<16xi32> to vector<16xi32>
    %swap3A_184 = vector.shape_cast %select_n3A_180 : vector<16xi32> to vector<16xi32>
    tpu.vector_store %arg15[%swap3A_181], %swap3A_184 {strides = array<i32>} : memref<80xi32, #tpu.memory_space<vmem>>, vector<16xi32>,
    %get3A_185 = arith.constant 16 : index
    %get3A_186 = tpu.vector_load %arg15[%get3A_185] {strides = array<i32>} : memref<80xi32, #tpu.memory_space<vmem>>, vector<16xi32>,
    %get3A_187 = vector.shape_cast %get3A_186 : vector<16xi32> to vector<16xi32>
    %sub3A_188 = vector.broadcast %mul3A_0 : i32 to vector<16xi32>
    %sub3A_189 = arith.subi %get3A_187, %sub3A_188 : vector<16xi32>
    %lt3A_190 = arith.constant 0 : i32
    %lt3A_191 = vector.broadcast %lt3A_190 : i32 to vector<16xi32>
    %lt3A_192 = arith.cmpi slt, %sub3A_189, %lt3A_191 : vector<16xi32>
    %ge3A_193 = arith.constant 5120 : i32
    %ge3A_194 = vector.broadcast %ge3A_193 : i32 to vector<16xi32>
    %ge3A_195 = arith.cmpi sge, %sub3A_189, %ge3A_194 : vector<16xi32>
    %or3A_196 = arith.ori %lt3A_192, %ge3A_195 : vector<16xi1>
    %jit3A_197 = arith.constant 5120 : i32
    %broadcast_in_dim3A_198 = vector.broadcast %jit3A_197 : i32 to vector<16xi32>
    %select_n3A_199 = arith.select %or3A_196, %broadcast_in_dim3A_198, %sub3A_189 : vector<16xi1>, vector<16xi32>
    %swap3A_200 = arith.constant 16 : index
    %swap3A_201 = tpu.vector_load %arg15[%swap3A_200] {strides = array<i32>} : memref<80xi32, #tpu.memory_space<vmem>>, vector<16xi32>,
    %swap3A_202 = vector.shape_cast %swap3A_201 : vector<16xi32> to vector<16xi32>
    %swap3A_203 = vector.shape_cast %select_n3A_199 : vector<16xi32> to vector<16xi32>
    tpu.vector_store %arg15[%swap3A_200], %swap3A_203 {strides = array<i32>} : memref<80xi32, #tpu.memory_space<vmem>>, vector<16xi32>,
    %get3A_204 = arith.constant 32 : index
    %get3A_205 = tpu.vector_load %arg15[%get3A_204] {strides = array<i32>} : memref<80xi32, #tpu.memory_space<vmem>>, vector<16xi32>,
    %get3A_206 = vector.shape_cast %get3A_205 : vector<16xi32> to vector<16xi32>
    %sub3A_207 = vector.broadcast %mul3A_0 : i32 to vector<16xi32>
    %sub3A_208 = arith.subi %get3A_206, %sub3A_207 : vector<16xi32>
    %lt3A_209 = arith.constant 0 : i32
    %lt3A_210 = vector.broadcast %lt3A_209 : i32 to vector<16xi32>
    %lt3A_211 = arith.cmpi slt, %sub3A_208, %lt3A_210 : vector<16xi32>
    %ge3A_212 = arith.constant 5120 : i32
    %ge3A_213 = vector.broadcast %ge3A_212 : i32 to vector<16xi32>
    %ge3A_214 = arith.cmpi sge, %sub3A_208, %ge3A_213 : vector<16xi32>
    %or3A_215 = arith.ori %lt3A_211, %ge3A_214 : vector<16xi1>
    %jit3A_216 = arith.constant 5120 : i32
    %broadcast_in_dim3A_217 = vector.broadcast %jit3A_216 : i32 to vector<16xi32>
    %select_n3A_218 = arith.select %or3A_215, %broadcast_in_dim3A_217, %sub3A_208 : vector<16xi1>, vector<16xi32>
    %swap3A_219 = arith.constant 32 : index
    %swap3A_220 = tpu.vector_load %arg15[%swap3A_219] {strides = array<i32>} : memref<80xi32, #tpu.memory_space<vmem>>, vector<16xi32>,
    %swap3A_221 = vector.shape_cast %swap3A_220 : vector<16xi32> to vector<16xi32>
    %swap3A_222 = vector.shape_cast %select_n3A_218 : vector<16xi32> to vector<16xi32>
    tpu.vector_store %arg15[%swap3A_219], %swap3A_222 {strides = array<i32>} : memref<80xi32, #tpu.memory_space<vmem>>, vector<16xi32>,
    %get3A_223 = arith.constant 48 : index
    %get3A_224 = tpu.vector_load %arg15[%get3A_223] {strides = array<i32>} : memref<80xi32, #tpu.memory_space<vmem>>, vector<16xi32>,
    %get3A_225 = vector.shape_cast %get3A_224 : vector<16xi32> to vector<16xi32>
    %sub3A_226 = vector.broadcast %mul3A_0 : i32 to vector<16xi32>
    %sub3A_227 = arith.subi %get3A_225, %sub3A_226 : vector<16xi32>
    %lt3A_228 = arith.constant 0 : i32
    %lt3A_229 = vector.broadcast %lt3A_228 : i32 to vector<16xi32>
    %lt3A_230 = arith.cmpi slt, %sub3A_227, %lt3A_229 : vector<16xi32>
    %ge3A_231 = arith.constant 5120 : i32
    %ge3A_232 = vector.broadcast %ge3A_231 : i32 to vector<16xi32>
    %ge3A_233 = arith.cmpi sge, %sub3A_227, %ge3A_232 : vector<16xi32>
    %or3A_234 = arith.ori %lt3A_230, %ge3A_233 : vector<16xi1>
    %jit3A_235 = arith.constant 5120 : i32
    %broadcast_in_dim3A_236 = vector.broadcast %jit3A_235 : i32 to vector<16xi32>
    %select_n3A_237 = arith.select %or3A_234, %broadcast_in_dim3A_236, %sub3A_227 : vector<16xi1>, vector<16xi32>
    %swap3A_238 = arith.constant 48 : index
    %swap3A_239 = tpu.vector_load %arg15[%swap3A_238] {strides = array<i32>} : memref<80xi32, #tpu.memory_space<vmem>>, vector<16xi32>,
    %swap3A_240 = vector.shape_cast %swap3A_239 : vector<16xi32> to vector<16xi32>
    %swap3A_241 = vector.shape_cast %select_n3A_237 : vector<16xi32> to vector<16xi32>
    tpu.vector_store %arg15[%swap3A_238], %swap3A_241 {strides = array<i32>} : memref<80xi32, #tpu.memory_space<vmem>>, vector<16xi32>,
    %get3A_242 = arith.constant 64 : index
    %get3A_243 = tpu.vector_load %arg15[%get3A_242] {strides = array<i32>} : memref<80xi32, #tpu.memory_space<vmem>>, vector<16xi32>,
    %get3A_244 = vector.shape_cast %get3A_243 : vector<16xi32> to vector<16xi32>
    %sub3A_245 = vector.broadcast %mul3A_0 : i32 to vector<16xi32>
    %sub3A_246 = arith.subi %get3A_244, %sub3A_245 : vector<16xi32>
    %lt3A_247 = arith.constant 0 : i32
    %lt3A_248 = vector.broadcast %lt3A_247 : i32 to vector<16xi32>
    %lt3A_249 = arith.cmpi slt, %sub3A_246, %lt3A_248 : vector<16xi32>
    %ge3A_250 = arith.constant 5120 : i32
    %ge3A_251 = vector.broadcast %ge3A_250 : i32 to vector<16xi32>
    %ge3A_252 = arith.cmpi sge, %sub3A_246, %ge3A_251 : vector<16xi32>
    %or3A_253 = arith.ori %lt3A_249, %ge3A_252 : vector<16xi1>
    %jit3A_254 = arith.constant 5120 : i32
    %broadcast_in_dim3A_255 = vector.broadcast %jit3A_254 : i32 to vector<16xi32>
    %select_n3A_256 = arith.select %or3A_253, %broadcast_in_dim3A_255, %sub3A_246 : vector<16xi1>, vector<16xi32>
    %swap3A_257 = arith.constant 64 : index
    %swap3A_258 = tpu.vector_load %arg15[%swap3A_257] {strides = array<i32>} : memref<80xi32, #tpu.memory_space<vmem>>, vector<16xi32>,
    %swap3A_259 = vector.shape_cast %swap3A_258 : vector<16xi32> to vector<16xi32>
    %swap3A_260 = vector.shape_cast %select_n3A_256 : vector<16xi32> to vector<16xi32>
    tpu.vector_store %arg15[%swap3A_257], %swap3A_260 {strides = array<i32>} : memref<80xi32, #tpu.memory_space<vmem>>, vector<16xi32>,
    %dma_wait3A_261 = arith.constant 0 : i32
    %dma_wait3A_262 = arith.constant 0 : i32
    %dma_wait3A_263 = tpu.memref_slice %arg2[%dma_wait3A_261, %dma_wait3A_262] : memref<1024x128xf32, #tpu.memory_space<hbm>> -> memref<1024x128xf32, #tpu.memory_space<hbm>>
    tpu.wait_indirect_dma semaphore(%arg20 : memref<!tpu.dma_semaphore, #tpu.memory_space<semaphore_mem>>) src(%dma_wait3A_263 : memref<1024x128xf32, #tpu.memory_space<hbm>>) dst(%arg16 : memref<80x128xf32, #tpu.memory_space<vmem>>)
    %dma_start3A_264 = arith.constant 0 : i32
    %dma_start3A_265 = arith.constant 0 : i32
    %dma_start3A_266 = tpu.memref_slice %arg9[%dma_start3A_264, %dma_start3A_265] : memref<5200x128xf32, #tpu.memory_space<vmem_shared>> -> memref<5200x128xf32, #tpu.memory_space<vmem_shared>>
    tpu.enqueue_indirect_dma source(%arg16 : memref<80x128xf32, #tpu.memory_space<vmem>>) target(%dma_start3A_266 : memref<5200x128xf32, #tpu.memory_space<vmem_shared>>) offsets(%arg12 : memref<80xi32, #tpu.memory_space<vmem>>) semaphore(%arg24 : memref<!tpu.dma_semaphore, #tpu.memory_space<semaphore_mem>>) {add = true}
    %dma_wait3A_267 = arith.constant 0 : i32
    %dma_wait3A_268 = arith.constant 0 : i32
    %dma_wait3A_269 = tpu.memref_slice %arg3[%dma_wait3A_267, %dma_wait3A_268] : memref<20480x128xf32, #tpu.memory_space<hbm>> -> memref<20480x128xf32, #tpu.memory_space<hbm>>
    tpu.wait_indirect_dma semaphore(%arg21 : memref<!tpu.dma_semaphore, #tpu.memory_space<semaphore_mem>>) src(%dma_wait3A_269 : memref<20480x128xf32, #tpu.memory_space<hbm>>) dst(%arg17 : memref<80x128xf32, #tpu.memory_space<vmem>>)
    %dma_start3A_270 = arith.constant 0 : i32
    %dma_start3A_271 = arith.constant 0 : i32
    %dma_start3A_272 = tpu.memref_slice %arg9[%dma_start3A_270, %dma_start3A_271] : memref<5200x128xf32, #tpu.memory_space<vmem_shared>> -> memref<5200x128xf32, #tpu.memory_space<vmem_shared>>
    tpu.enqueue_indirect_dma source(%arg17 : memref<80x128xf32, #tpu.memory_space<vmem>>) target(%dma_start3A_272 : memref<5200x128xf32, #tpu.memory_space<vmem_shared>>) offsets(%arg12 : memref<80xi32, #tpu.memory_space<vmem>>) semaphore(%arg24 : memref<!tpu.dma_semaphore, #tpu.memory_space<semaphore_mem>>) {add = true}
    %dma_wait3A_273 = arith.constant 0 : i32
    %dma_wait3A_274 = arith.constant 0 : i32
    %dma_wait3A_275 = tpu.memref_slice %arg9[%dma_wait3A_273, %dma_wait3A_274] : memref<5200x128xf32, #tpu.memory_space<vmem_shared>> -> memref<5200x128xf32, #tpu.memory_space<vmem_shared>>
    tpu.wait_indirect_dma semaphore(%arg24 : memref<!tpu.dma_semaphore, #tpu.memory_space<semaphore_mem>>) src(%arg16 : memref<80x128xf32, #tpu.memory_space<vmem>>) dst(%dma_wait3A_275 : memref<5200x128xf32, #tpu.memory_space<vmem_shared>>)
    %dma_wait3A_276 = arith.constant 0 : i32
    %dma_wait3A_277 = arith.constant 0 : i32
    %dma_wait3A_278 = tpu.memref_slice %arg9[%dma_wait3A_276, %dma_wait3A_277] : memref<5200x128xf32, #tpu.memory_space<vmem_shared>> -> memref<5200x128xf32, #tpu.memory_space<vmem_shared>>
    tpu.wait_indirect_dma semaphore(%arg24 : memref<!tpu.dma_semaphore, #tpu.memory_space<semaphore_mem>>) src(%arg17 : memref<80x128xf32, #tpu.memory_space<vmem>>) dst(%dma_wait3A_278 : memref<5200x128xf32, #tpu.memory_space<vmem_shared>>)
    %dma_wait3A_279 = arith.constant 0 : i32
    %dma_wait3A_280 = arith.constant 0 : i32
    %dma_wait3A_281 = tpu.memref_slice %arg2[%dma_wait3A_279, %dma_wait3A_280] : memref<1024x128xf32, #tpu.memory_space<hbm>> -> memref<1024x128xf32, #tpu.memory_space<hbm>>
    tpu.wait_indirect_dma semaphore(%arg22 : memref<!tpu.dma_semaphore, #tpu.memory_space<semaphore_mem>>) src(%dma_wait3A_281 : memref<1024x128xf32, #tpu.memory_space<hbm>>) dst(%arg18 : memref<80x128xf32, #tpu.memory_space<vmem>>)
    %dma_start3A_282 = arith.constant 0 : i32
    %dma_start3A_283 = arith.constant 0 : i32
    %dma_start3A_284 = tpu.memref_slice %arg9[%dma_start3A_282, %dma_start3A_283] : memref<5200x128xf32, #tpu.memory_space<vmem_shared>> -> memref<5200x128xf32, #tpu.memory_space<vmem_shared>>
    tpu.enqueue_indirect_dma source(%arg18 : memref<80x128xf32, #tpu.memory_space<vmem>>) target(%dma_start3A_284 : memref<5200x128xf32, #tpu.memory_space<vmem_shared>>) offsets(%arg15 : memref<80xi32, #tpu.memory_space<vmem>>) semaphore(%arg25 : memref<!tpu.dma_semaphore, #tpu.memory_space<semaphore_mem>>) {add = true}
    %dma_wait3A_285 = arith.constant 0 : i32
    %dma_wait3A_286 = arith.constant 0 : i32
    %dma_wait3A_287 = tpu.memref_slice %arg3[%dma_wait3A_285, %dma_wait3A_286] : memref<20480x128xf32, #tpu.memory_space<hbm>> -> memref<20480x128xf32, #tpu.memory_space<hbm>>
    tpu.wait_indirect_dma semaphore(%arg23 : memref<!tpu.dma_semaphore, #tpu.memory_space<semaphore_mem>>) src(%dma_wait3A_287 : memref<20480x128xf32, #tpu.memory_space<hbm>>) dst(%arg19 : memref<80x128xf32, #tpu.memory_space<vmem>>)
    %dma_start3A_288 = arith.constant 0 : i32
    %dma_start3A_289 = arith.constant 0 : i32
    %dma_start3A_290 = tpu.memref_slice %arg9[%dma_start3A_288, %dma_start3A_289] : memref<5200x128xf32, #tpu.memory_space<vmem_shared>> -> memref<5200x128xf32, #tpu.memory_space<vmem_shared>>
    tpu.enqueue_indirect_dma source(%arg19 : memref<80x128xf32, #tpu.memory_space<vmem>>) target(%dma_start3A_290 : memref<5200x128xf32, #tpu.memory_space<vmem_shared>>) offsets(%arg15 : memref<80xi32, #tpu.memory_space<vmem>>) semaphore(%arg25 : memref<!tpu.dma_semaphore, #tpu.memory_space<semaphore_mem>>) {add = true}
    %dma_wait3A_291 = arith.constant 0 : i32
    %dma_wait3A_292 = arith.constant 0 : i32
    %dma_wait3A_293 = tpu.memref_slice %arg9[%dma_wait3A_291, %dma_wait3A_292] : memref<5200x128xf32, #tpu.memory_space<vmem_shared>> -> memref<5200x128xf32, #tpu.memory_space<vmem_shared>>
    tpu.wait_indirect_dma semaphore(%arg25 : memref<!tpu.dma_semaphore, #tpu.memory_space<semaphore_mem>>) src(%arg18 : memref<80x128xf32, #tpu.memory_space<vmem>>) dst(%dma_wait3A_293 : memref<5200x128xf32, #tpu.memory_space<vmem_shared>>)
    %dma_wait3A_294 = arith.constant 0 : i32
    %dma_wait3A_295 = arith.constant 0 : i32
    %dma_wait3A_296 = tpu.memref_slice %arg9[%dma_wait3A_294, %dma_wait3A_295] : memref<5200x128xf32, #tpu.memory_space<vmem_shared>> -> memref<5200x128xf32, #tpu.memory_space<vmem_shared>>
    tpu.wait_indirect_dma semaphore(%arg25 : memref<!tpu.dma_semaphore, #tpu.memory_space<semaphore_mem>>) src(%arg19 : memref<80x128xf32, #tpu.memory_space<vmem>>) dst(%dma_wait3A_296 : memref<5200x128xf32, #tpu.memory_space<vmem_shared>>)
    %barrier3A_297 = arith.constant 0 : index
    tpu.barrier barrier_id(%barrier3A_297)
    %mul3A_298 = arith.constant 320 : i32
    %mul3A_299 = arith.muli %arg1, %mul3A_298 : i32
    %mul3A_300 = arith.constant 5120 : i32
    %mul3A_301 = arith.muli %arg0, %mul3A_300 : i32
    %add3A_302 = arith.addi %mul3A_301, %mul3A_299 : i32
    %add3A_303 = arith.constant 0 : i32
    %add3A_304 = arith.addi %mul3A_299, %add3A_303 : i32
    "tpu.region"() ({
      %run_scoped3A = tpu.sem_alloc : memref<!tpu.dma_semaphore, #tpu.memory_space<semaphore_mem>>
      %dma_start3A_319 = arith.constant 0 : i32
      %dma_start3A_320 = tpu.memref_slice %arg9[%add3A_304, %dma_start3A_319] : memref<5200x128xf32, #tpu.memory_space<vmem_shared>> -> memref<80x128xf32, #tpu.memory_space<vmem_shared>>
      %dma_start3A_321 = arith.constant 0 : i32
      %dma_start3A_322 = tpu.memref_slice %arg9[%add3A_304, %dma_start3A_321] : memref<5200x128xf32, #tpu.memory_space<vmem_shared>> -> memref<80x128xf32, #tpu.memory_space<vmem_shared>>
      tpu.enqueue_dma source(%dma_start3A_322 : memref<80x128xf32, #tpu.memory_space<vmem_shared>>) target(%arg16 : memref<80x128xf32, #tpu.memory_space<vmem>>) target_semaphore(%run_scoped3A : memref<!tpu.dma_semaphore, #tpu.memory_space<semaphore_mem>>)
      %dma_wait3A_323 = arith.constant 0 : i32
      %dma_wait3A_324 = tpu.memref_slice %arg9[%add3A_304, %dma_wait3A_323] : memref<5200x128xf32, #tpu.memory_space<vmem_shared>> -> memref<80x128xf32, #tpu.memory_space<vmem_shared>>
      %dma_wait3A_325 = arith.constant 0 : i32
      %dma_wait3A_326 = tpu.memref_slice %arg9[%add3A_304, %dma_wait3A_325] : memref<5200x128xf32, #tpu.memory_space<vmem_shared>> -> memref<80x128xf32, #tpu.memory_space<vmem_shared>>
      tpu.wait_dma2 semaphore(%run_scoped3A : memref<!tpu.dma_semaphore, #tpu.memory_space<semaphore_mem>>) src(%dma_wait3A_326 : memref<80x128xf32, #tpu.memory_space<vmem_shared>>) dst(%arg16 : memref<80x128xf32, #tpu.memory_space<vmem>>)
      tpu.yield
    }) : () -> ()
    %add3A_305 = arith.constant 0 : i32
    %add3A_306 = arith.addi %add3A_302, %add3A_305 : i32
    "tpu.region"() ({
      %run_scoped3A = tpu.sem_alloc : memref<!tpu.dma_semaphore, #tpu.memory_space<semaphore_mem>>
      %dma_start3A_319 = arith.constant 0 : i32
      %dma_start3A_320 = tpu.memref_slice %arg8[%add3A_306, %dma_start3A_319] : memref<10240x128xf32, #tpu.memory_space<hbm>> -> memref<80x128xf32, #tpu.memory_space<hbm>>
      %dma_start3A_321 = arith.constant 0 : i32
      %dma_start3A_322 = tpu.memref_slice %arg8[%add3A_306, %dma_start3A_321] : memref<10240x128xf32, #tpu.memory_space<hbm>> -> memref<80x128xf32, #tpu.memory_space<hbm>>
      tpu.enqueue_dma source(%arg16 : memref<80x128xf32, #tpu.memory_space<vmem>>) target(%dma_start3A_322 : memref<80x128xf32, #tpu.memory_space<hbm>>) target_semaphore(%run_scoped3A : memref<!tpu.dma_semaphore, #tpu.memory_space<semaphore_mem>>)
      %dma_wait3A_323 = arith.constant 0 : i32
      %dma_wait3A_324 = tpu.memref_slice %arg8[%add3A_306, %dma_wait3A_323] : memref<10240x128xf32, #tpu.memory_space<hbm>> -> memref<80x128xf32, #tpu.memory_space<hbm>>
      %dma_wait3A_325 = arith.constant 0 : i32
      %dma_wait3A_326 = tpu.memref_slice %arg8[%add3A_306, %dma_wait3A_325] : memref<10240x128xf32, #tpu.memory_space<hbm>> -> memref<80x128xf32, #tpu.memory_space<hbm>>
      tpu.wait_dma2 semaphore(%run_scoped3A : memref<!tpu.dma_semaphore, #tpu.memory_space<semaphore_mem>>) src(%arg16 : memref<80x128xf32, #tpu.memory_space<vmem>>) dst(%dma_wait3A_326 : memref<80x128xf32, #tpu.memory_space<hbm>>)
      tpu.yield
    }) : () -> ()
    %add3A_307 = arith.constant 80 : i32
    %add3A_308 = arith.addi %mul3A_299, %add3A_307 : i32
    "tpu.region"() ({
      %run_scoped3A = tpu.sem_alloc : memref<!tpu.dma_semaphore, #tpu.memory_space<semaphore_mem>>
      %dma_start3A_319 = arith.constant 0 : i32
      %dma_start3A_320 = tpu.memref_slice %arg9[%add3A_308, %dma_start3A_319] : memref<5200x128xf32, #tpu.memory_space<vmem_shared>> -> memref<80x128xf32, #tpu.memory_space<vmem_shared>>
      %dma_start3A_321 = arith.constant 0 : i32
      %dma_start3A_322 = tpu.memref_slice %arg9[%add3A_308, %dma_start3A_321] : memref<5200x128xf32, #tpu.memory_space<vmem_shared>> -> memref<80x128xf32, #tpu.memory_space<vmem_shared>>
      tpu.enqueue_dma source(%dma_start3A_322 : memref<80x128xf32, #tpu.memory_space<vmem_shared>>) target(%arg16 : memref<80x128xf32, #tpu.memory_space<vmem>>) target_semaphore(%run_scoped3A : memref<!tpu.dma_semaphore, #tpu.memory_space<semaphore_mem>>)
      %dma_wait3A_323 = arith.constant 0 : i32
      %dma_wait3A_324 = tpu.memref_slice %arg9[%add3A_308, %dma_wait3A_323] : memref<5200x128xf32, #tpu.memory_space<vmem_shared>> -> memref<80x128xf32, #tpu.memory_space<vmem_shared>>
      %dma_wait3A_325 = arith.constant 0 : i32
      %dma_wait3A_326 = tpu.memref_slice %arg9[%add3A_308, %dma_wait3A_325] : memref<5200x128xf32, #tpu.memory_space<vmem_shared>> -> memref<80x128xf32, #tpu.memory_space<vmem_shared>>
      tpu.wait_dma2 semaphore(%run_scoped3A : memref<!tpu.dma_semaphore, #tpu.memory_space<semaphore_mem>>) src(%dma_wait3A_326 : memref<80x128xf32, #tpu.memory_space<vmem_shared>>) dst(%arg16 : memref<80x128xf32, #tpu.memory_space<vmem>>)
      tpu.yield
    }) : () -> ()
    %add3A_309 = arith.constant 80 : i32
    %add3A_310 = arith.addi %add3A_302, %add3A_309 : i32
    "tpu.region"() ({
      %run_scoped3A = tpu.sem_alloc : memref<!tpu.dma_semaphore, #tpu.memory_space<semaphore_mem>>
      %dma_start3A_319 = arith.constant 0 : i32
      %dma_start3A_320 = tpu.memref_slice %arg8[%add3A_310, %dma_start3A_319] : memref<10240x128xf32, #tpu.memory_space<hbm>> -> memref<80x128xf32, #tpu.memory_space<hbm>>
      %dma_start3A_321 = arith.constant 0 : i32
      %dma_start3A_322 = tpu.memref_slice %arg8[%add3A_310, %dma_start3A_321] : memref<10240x128xf32, #tpu.memory_space<hbm>> -> memref<80x128xf32, #tpu.memory_space<hbm>>
      tpu.enqueue_dma source(%arg16 : memref<80x128xf32, #tpu.memory_space<vmem>>) target(%dma_start3A_322 : memref<80x128xf32, #tpu.memory_space<hbm>>) target_semaphore(%run_scoped3A : memref<!tpu.dma_semaphore, #tpu.memory_space<semaphore_mem>>)
      %dma_wait3A_323 = arith.constant 0 : i32
      %dma_wait3A_324 = tpu.memref_slice %arg8[%add3A_310, %dma_wait3A_323] : memref<10240x128xf32, #tpu.memory_space<hbm>> -> memref<80x128xf32, #tpu.memory_space<hbm>>
      %dma_wait3A_325 = arith.constant 0 : i32
      %dma_wait3A_326 = tpu.memref_slice %arg8[%add3A_310, %dma_wait3A_325] : memref<10240x128xf32, #tpu.memory_space<hbm>> -> memref<80x128xf32, #tpu.memory_space<hbm>>
      tpu.wait_dma2 semaphore(%run_scoped3A : memref<!tpu.dma_semaphore, #tpu.memory_space<semaphore_mem>>) src(%arg16 : memref<80x128xf32, #tpu.memory_space<vmem>>) dst(%dma_wait3A_326 : memref<80x128xf32, #tpu.memory_space<hbm>>)
      tpu.yield
    }) : () -> ()
    %add3A_311 = arith.constant 160 : i32
    %add3A_312 = arith.addi %mul3A_299, %add3A_311 : i32
    "tpu.region"() ({
      %run_scoped3A = tpu.sem_alloc : memref<!tpu.dma_semaphore, #tpu.memory_space<semaphore_mem>>
      %dma_start3A_319 = arith.constant 0 : i32
      %dma_start3A_320 = tpu.memref_slice %arg9[%add3A_312, %dma_start3A_319] : memref<5200x128xf32, #tpu.memory_space<vmem_shared>> -> memref<80x128xf32, #tpu.memory_space<vmem_shared>>
      %dma_start3A_321 = arith.constant 0 : i32
      %dma_start3A_322 = tpu.memref_slice %arg9[%add3A_312, %dma_start3A_321] : memref<5200x128xf32, #tpu.memory_space<vmem_shared>> -> memref<80x128xf32, #tpu.memory_space<vmem_shared>>
      tpu.enqueue_dma source(%dma_start3A_322 : memref<80x128xf32, #tpu.memory_space<vmem_shared>>) target(%arg16 : memref<80x128xf32, #tpu.memory_space<vmem>>) target_semaphore(%run_scoped3A : memref<!tpu.dma_semaphore, #tpu.memory_space<semaphore_mem>>)
      %dma_wait3A_323 = arith.constant 0 : i32
      %dma_wait3A_324 = tpu.memref_slice %arg9[%add3A_312, %dma_wait3A_323] : memref<5200x128xf32, #tpu.memory_space<vmem_shared>> -> memref<80x128xf32, #tpu.memory_space<vmem_shared>>
      %dma_wait3A_325 = arith.constant 0 : i32
      %dma_wait3A_326 = tpu.memref_slice %arg9[%add3A_312, %dma_wait3A_325] : memref<5200x128xf32, #tpu.memory_space<vmem_shared>> -> memref<80x128xf32, #tpu.memory_space<vmem_shared>>
      tpu.wait_dma2 semaphore(%run_scoped3A : memref<!tpu.dma_semaphore, #tpu.memory_space<semaphore_mem>>) src(%dma_wait3A_326 : memref<80x128xf32, #tpu.memory_space<vmem_shared>>) dst(%arg16 : memref<80x128xf32, #tpu.memory_space<vmem>>)
      tpu.yield
    }) : () -> ()
    %add3A_313 = arith.constant 160 : i32
    %add3A_314 = arith.addi %add3A_302, %add3A_313 : i32
    "tpu.region"() ({
      %run_scoped3A = tpu.sem_alloc : memref<!tpu.dma_semaphore, #tpu.memory_space<semaphore_mem>>
      %dma_start3A_319 = arith.constant 0 : i32
      %dma_start3A_320 = tpu.memref_slice %arg8[%add3A_314, %dma_start3A_319] : memref<10240x128xf32, #tpu.memory_space<hbm>> -> memref<80x128xf32, #tpu.memory_space<hbm>>
      %dma_start3A_321 = arith.constant 0 : i32
      %dma_start3A_322 = tpu.memref_slice %arg8[%add3A_314, %dma_start3A_321] : memref<10240x128xf32, #tpu.memory_space<hbm>> -> memref<80x128xf32, #tpu.memory_space<hbm>>
      tpu.enqueue_dma source(%arg16 : memref<80x128xf32, #tpu.memory_space<vmem>>) target(%dma_start3A_322 : memref<80x128xf32, #tpu.memory_space<hbm>>) target_semaphore(%run_scoped3A : memref<!tpu.dma_semaphore, #tpu.memory_space<semaphore_mem>>)
      %dma_wait3A_323 = arith.constant 0 : i32
      %dma_wait3A_324 = tpu.memref_slice %arg8[%add3A_314, %dma_wait3A_323] : memref<10240x128xf32, #tpu.memory_space<hbm>> -> memref<80x128xf32, #tpu.memory_space<hbm>>
      %dma_wait3A_325 = arith.constant 0 : i32
      %dma_wait3A_326 = tpu.memref_slice %arg8[%add3A_314, %dma_wait3A_325] : memref<10240x128xf32, #tpu.memory_space<hbm>> -> memref<80x128xf32, #tpu.memory_space<hbm>>
      tpu.wait_dma2 semaphore(%run_scoped3A : memref<!tpu.dma_semaphore, #tpu.memory_space<semaphore_mem>>) src(%arg16 : memref<80x128xf32, #tpu.memory_space<vmem>>) dst(%dma_wait3A_326 : memref<80x128xf32, #tpu.memory_space<hbm>>)
      tpu.yield
    }) : () -> ()
    %add3A_315 = arith.constant 240 : i32
    %add3A_316 = arith.addi %mul3A_299, %add3A_315 : i32
    "tpu.region"() ({
      %run_scoped3A = tpu.sem_alloc : memref<!tpu.dma_semaphore, #tpu.memory_space<semaphore_mem>>
      %dma_start3A_319 = arith.constant 0 : i32
      %dma_start3A_320 = tpu.memref_slice %arg9[%add3A_316, %dma_start3A_319] : memref<5200x128xf32, #tpu.memory_space<vmem_shared>> -> memref<80x128xf32, #tpu.memory_space<vmem_shared>>
      %dma_start3A_321 = arith.constant 0 : i32
      %dma_start3A_322 = tpu.memref_slice %arg9[%add3A_316, %dma_start3A_321] : memref<5200x128xf32, #tpu.memory_space<vmem_shared>> -> memref<80x128xf32, #tpu.memory_space<vmem_shared>>
      tpu.enqueue_dma source(%dma_start3A_322 : memref<80x128xf32, #tpu.memory_space<vmem_shared>>) target(%arg16 : memref<80x128xf32, #tpu.memory_space<vmem>>) target_semaphore(%run_scoped3A : memref<!tpu.dma_semaphore, #tpu.memory_space<semaphore_mem>>)
      %dma_wait3A_323 = arith.constant 0 : i32
      %dma_wait3A_324 = tpu.memref_slice %arg9[%add3A_316, %dma_wait3A_323] : memref<5200x128xf32, #tpu.memory_space<vmem_shared>> -> memref<80x128xf32, #tpu.memory_space<vmem_shared>>
      %dma_wait3A_325 = arith.constant 0 : i32
      %dma_wait3A_326 = tpu.memref_slice %arg9[%add3A_316, %dma_wait3A_325] : memref<5200x128xf32, #tpu.memory_space<vmem_shared>> -> memref<80x128xf32, #tpu.memory_space<vmem_shared>>
      tpu.wait_dma2 semaphore(%run_scoped3A : memref<!tpu.dma_semaphore, #tpu.memory_space<semaphore_mem>>) src(%dma_wait3A_326 : memref<80x128xf32, #tpu.memory_space<vmem_shared>>) dst(%arg16 : memref<80x128xf32, #tpu.memory_space<vmem>>)
      tpu.yield
    }) : () -> ()
    %add3A_317 = arith.constant 240 : i32
    %add3A_318 = arith.addi %add3A_302, %add3A_317 : i32
    "tpu.region"() ({
      %run_scoped3A = tpu.sem_alloc : memref<!tpu.dma_semaphore, #tpu.memory_space<semaphore_mem>>
      %dma_start3A_319 = arith.constant 0 : i32
      %dma_start3A_320 = tpu.memref_slice %arg8[%add3A_318, %dma_start3A_319] : memref<10240x128xf32, #tpu.memory_space<hbm>> -> memref<80x128xf32, #tpu.memory_space<hbm>>
      %dma_start3A_321 = arith.constant 0 : i32
      %dma_start3A_322 = tpu.memref_slice %arg8[%add3A_318, %dma_start3A_321] : memref<10240x128xf32, #tpu.memory_space<hbm>> -> memref<80x128xf32, #tpu.memory_space<hbm>>
      tpu.enqueue_dma source(%arg16 : memref<80x128xf32, #tpu.memory_space<vmem>>) target(%dma_start3A_322 : memref<80x128xf32, #tpu.memory_space<hbm>>) target_semaphore(%run_scoped3A : memref<!tpu.dma_semaphore, #tpu.memory_space<semaphore_mem>>)
      %dma_wait3A_323 = arith.constant 0 : i32
      %dma_wait3A_324 = tpu.memref_slice %arg8[%add3A_318, %dma_wait3A_323] : memref<10240x128xf32, #tpu.memory_space<hbm>> -> memref<80x128xf32, #tpu.memory_space<hbm>>
      %dma_wait3A_325 = arith.constant 0 : i32
      %dma_wait3A_326 = tpu.memref_slice %arg8[%add3A_318, %dma_wait3A_325] : memref<10240x128xf32, #tpu.memory_space<hbm>> -> memref<80x128xf32, #tpu.memory_space<hbm>>
      tpu.wait_dma2 semaphore(%run_scoped3A : memref<!tpu.dma_semaphore, #tpu.memory_space<semaphore_mem>>) src(%arg16 : memref<80x128xf32, #tpu.memory_space<vmem>>) dst(%dma_wait3A_326 : memref<80x128xf32, #tpu.memory_space<hbm>>)
      tpu.yield
    }) : () -> ()
    return
  }
}

module attributes {stable_mosaic.version = 14 : i64} {
  func.func @_prep_ent_body(%arg0: i32, %arg1: memref<2048x128xf32, #tpu.memory_space<vmem>>, %arg2: memref<128x128xf32, #tpu.memory_space<vmem>>, %arg3: memref<128x128xf32, #tpu.memory_space<vmem>>, %arg4: memref<128x128xf32, #tpu.memory_space<vmem>>, %arg5: memref<1x128xf32, #tpu.memory_space<vmem>>, %arg6: memref<2x2048x128xf32, #tpu.memory_space<vmem>>, %arg7: memref<2048x128xf32, #tpu.memory_space<vmem>>) attributes {dimension_semantics = [#tpu.dimension_semantics<arbitrary>], iteration_bounds = array<i64: 5>, scalar_prefetch = 0 : i64, scratch_operands = 0 : i64, tpu.core_type = #tpu.core_type<tc>, window_params = [{transform_indices = @transform_0, window_bounds = array<i64: 2048, 128>}, {pipeline_mode = #tpu.pipeline_mode<synchronous>, transform_indices = @transform_1, window_bounds = array<i64: 128, 128>}, {pipeline_mode = #tpu.pipeline_mode<synchronous>, transform_indices = @transform_2, window_bounds = array<i64: 128, 128>}, {pipeline_mode = #tpu.pipeline_mode<synchronous>, transform_indices = @transform_3, window_bounds = array<i64: 128, 128>}, {pipeline_mode = #tpu.pipeline_mode<synchronous>, transform_indices = @transform_4, window_bounds = array<i64: 1, 128>}, {transform_indices = @transform_5, window_bounds = array<i64: 2, 2048, 128>}, {transform_indices = @transform_6, window_bounds = array<i64: 2048, 128>}]} {
    %get3A = arith.constant 0 : index
    %get3A_0 = arith.constant 0 : index
    %get3A_1 = vector.load %arg1[%get3A, %get3A_0] : memref<2048x128xf32, #tpu.memory_space<vmem>>, vector<2048x128xf32>
    %get3A_2 = arith.constant 0 : index
    %get3A_3 = arith.constant 0 : index
    %get3A_4 = vector.load %arg2[%get3A_2, %get3A_3] : memref<128x128xf32, #tpu.memory_space<vmem>>, vector<128x128xf32>
    %dot_general3A = arith.constant dense<0.000000e+00> : vector<2048x128xf32>
    %dot_general3A_5 = tpu.matmul %get3A_1, %get3A_4, %dot_general3A {dimension_numbers = #tpu.dot_dimension_numbers<[1], [0], [0], [1], [0, 0, 1, 1], [], []>, transpose_lhs_hint = false} : vector<2048x128xf32>, vector<128x128xf32>, vector<2048x128xf32> -> vector<2048x128xf32>
    %swap3A = arith.constant 0 : index
    %swap3A_6 = arith.constant 0 : index
    %swap3A_7 = arith.constant 0 : index
    %swap3A_8 = vector.load %arg6[%swap3A, %swap3A_6, %swap3A_7] : memref<2x2048x128xf32, #tpu.memory_space<vmem>>, vector<1x2048x128xf32>
    %swap3A_9 = vector.shape_cast %swap3A_8 : vector<1x2048x128xf32> to vector<2048x128xf32>
    %swap3A_10 = vector.shape_cast %dot_general3A_5 : vector<2048x128xf32> to vector<1x2048x128xf32>
    tpu.vector_store %arg6[%swap3A, %swap3A_6, %swap3A_7], %swap3A_10 {strides = array<i32>} : memref<2x2048x128xf32, #tpu.memory_space<vmem>>, vector<1x2048x128xf32>,
    %get3A_11 = arith.constant 0 : index
    %get3A_12 = arith.constant 0 : index
    %get3A_13 = vector.load %arg3[%get3A_11, %get3A_12] : memref<128x128xf32, #tpu.memory_space<vmem>>, vector<128x128xf32>
    %dot_general3A_14 = arith.constant dense<0.000000e+00> : vector<2048x128xf32>
    %dot_general3A_15 = tpu.matmul %get3A_1, %get3A_13, %dot_general3A_14 {dimension_numbers = #tpu.dot_dimension_numbers<[1], [0], [0], [1], [0, 0, 1, 1], [], []>, transpose_lhs_hint = false} : vector<2048x128xf32>, vector<128x128xf32>, vector<2048x128xf32> -> vector<2048x128xf32>
    %swap3A_16 = arith.constant 1 : index
    %swap3A_17 = arith.constant 0 : index
    %swap3A_18 = arith.constant 0 : index
    %swap3A_19 = vector.load %arg6[%swap3A_16, %swap3A_17, %swap3A_18] : memref<2x2048x128xf32, #tpu.memory_space<vmem>>, vector<1x2048x128xf32>
    %swap3A_20 = vector.shape_cast %swap3A_19 : vector<1x2048x128xf32> to vector<2048x128xf32>
    %swap3A_21 = vector.shape_cast %dot_general3A_15 : vector<2048x128xf32> to vector<1x2048x128xf32>
    tpu.vector_store %arg6[%swap3A_16, %swap3A_17, %swap3A_18], %swap3A_21 {strides = array<i32>} : memref<2x2048x128xf32, #tpu.memory_space<vmem>>, vector<1x2048x128xf32>,
    %get3A_22 = arith.constant 0 : index
    %get3A_23 = arith.constant 0 : index
    %get3A_24 = vector.load %arg4[%get3A_22, %get3A_23] : memref<128x128xf32, #tpu.memory_space<vmem>>, vector<128x128xf32>
    %dot_general3A_25 = arith.constant dense<0.000000e+00> : vector<2048x128xf32>
    %dot_general3A_26 = tpu.matmul %get3A_1, %get3A_24, %dot_general3A_25 {dimension_numbers = #tpu.dot_dimension_numbers<[1], [0], [0], [1], [0, 0, 1, 1], [], []>, transpose_lhs_hint = false} : vector<2048x128xf32>, vector<128x128xf32>, vector<2048x128xf32> -> vector<2048x128xf32>
    %get3A_27 = arith.constant 0 : index
    %get3A_28 = arith.constant 0 : index
    %get3A_29 = vector.load %arg5[%get3A_27, %get3A_28] : memref<1x128xf32, #tpu.memory_space<vmem>>, vector<1x128xf32>
    %add3A = vector.broadcast %get3A_29 : vector<1x128xf32> to vector<2048x128xf32>
    %add3A_30 = arith.addf %dot_general3A_26, %add3A : vector<2048x128xf32>
    %swap3A_31 = arith.constant 0 : index
    %swap3A_32 = arith.constant 0 : index
    %swap3A_33 = vector.load %arg7[%swap3A_31, %swap3A_32] : memref<2048x128xf32, #tpu.memory_space<vmem>>, vector<2048x128xf32>
    tpu.vector_store %arg7[%swap3A_31, %swap3A_32], %add3A_30 {strides = array<i32>} : memref<2048x128xf32, #tpu.memory_space<vmem>>, vector<2048x128xf32>,
    return
  }
  func.func @transform_0(%arg0: i32) -> (i32, i32) {
    %c0_i32 = arith.constant 0 : i32
    %c0_i32_0 = arith.constant 0 : i32
    return %arg0, %c0_i32 : i32, i32
  }
  func.func @transform_1(%arg0: i32) -> (i32, i32) {
    %c0_i32 = arith.constant 0 : i32
    %c0_i32_0 = arith.constant 0 : i32
    %c0_i32_1 = arith.constant 0 : i32
    return %c0_i32, %c0_i32_0 : i32, i32
  }
  func.func @transform_2(%arg0: i32) -> (i32, i32) {
    %c0_i32 = arith.constant 0 : i32
    %c0_i32_0 = arith.constant 0 : i32
    %c0_i32_1 = arith.constant 0 : i32
    return %c0_i32, %c0_i32_0 : i32, i32
  }
  func.func @transform_3(%arg0: i32) -> (i32, i32) {
    %c0_i32 = arith.constant 0 : i32
    %c0_i32_0 = arith.constant 0 : i32
    %c0_i32_1 = arith.constant 0 : i32
    return %c0_i32, %c0_i32_0 : i32, i32
  }
  func.func @transform_4(%arg0: i32) -> (i32, i32) {
    %c0_i32 = arith.constant 0 : i32
    %c0_i32_0 = arith.constant 0 : i32
    %c0_i32_1 = arith.constant 0 : i32
    return %c0_i32, %c0_i32_0 : i32, i32
  }
  func.func @transform_5(%arg0: i32) -> (i32, i32, i32) {
    %c0_i32 = arith.constant 0 : i32
    %c0_i32_0 = arith.constant 0 : i32
    %c0_i32_1 = arith.constant 0 : i32
    return %c0_i32, %arg0, %c0_i32_0 : i32, i32, i32
  }
  func.func @transform_6(%arg0: i32) -> (i32, i32) {
    %c0_i32 = arith.constant 0 : i32
    %c0_i32_0 = arith.constant 0 : i32
    return %arg0, %c0_i32 : i32, i32
  }
}

module attributes {stable_mosaic.version = 14 : i64} {
  func.func @_prep_rel_body(%arg0: memref<512x128xf32, #tpu.memory_space<vmem>>, %arg1: memref<128x128xf32, #tpu.memory_space<vmem>>, %arg2: memref<128x128xf32, #tpu.memory_space<vmem>>, %arg3: memref<128x128xf32, #tpu.memory_space<vmem>>, %arg4: memref<1x128xf32, #tpu.memory_space<vmem>>, %arg5: memref<1x128xf32, #tpu.memory_space<vmem>>, %arg6: memref<1x128xf32, #tpu.memory_space<vmem>>, %arg7: memref<2x512x128xf32, #tpu.memory_space<vmem>>, %arg8: memref<512x128xf32, #tpu.memory_space<vmem>>) attributes {dimension_semantics = [], scalar_prefetch = 0 : i64, scratch_operands = 0 : i64, tpu.core_type = #tpu.core_type<tc>} {
    %get3A = arith.constant 0 : index
    %get3A_0 = arith.constant 0 : index
    %get3A_1 = vector.load %arg0[%get3A, %get3A_0] : memref<512x128xf32, #tpu.memory_space<vmem>>, vector<512x128xf32>
    %get3A_2 = arith.constant 0 : index
    %get3A_3 = arith.constant 0 : index
    %get3A_4 = vector.load %arg1[%get3A_2, %get3A_3] : memref<128x128xf32, #tpu.memory_space<vmem>>, vector<128x128xf32>
    %dot_general3A = arith.constant dense<0.000000e+00> : vector<512x128xf32>
    %dot_general3A_5 = tpu.matmul %get3A_1, %get3A_4, %dot_general3A {dimension_numbers = #tpu.dot_dimension_numbers<[1], [0], [0], [1], [0, 0, 1, 1], [], []>, transpose_lhs_hint = false} : vector<512x128xf32>, vector<128x128xf32>, vector<512x128xf32> -> vector<512x128xf32>
    %get3A_6 = arith.constant 0 : index
    %get3A_7 = arith.constant 0 : index
    %get3A_8 = vector.load %arg4[%get3A_6, %get3A_7] : memref<1x128xf32, #tpu.memory_space<vmem>>, vector<1x128xf32>
    %add3A = vector.broadcast %get3A_8 : vector<1x128xf32> to vector<512x128xf32>
    %add3A_9 = arith.addf %dot_general3A_5, %add3A : vector<512x128xf32>
    %swap3A = arith.constant 0 : index
    %swap3A_10 = arith.constant 0 : index
    %swap3A_11 = arith.constant 0 : index
    %swap3A_12 = vector.load %arg7[%swap3A, %swap3A_10, %swap3A_11] : memref<2x512x128xf32, #tpu.memory_space<vmem>>, vector<1x512x128xf32>
    %swap3A_13 = vector.shape_cast %swap3A_12 : vector<1x512x128xf32> to vector<512x128xf32>
    %swap3A_14 = vector.shape_cast %add3A_9 : vector<512x128xf32> to vector<1x512x128xf32>
    tpu.vector_store %arg7[%swap3A, %swap3A_10, %swap3A_11], %swap3A_14 {strides = array<i32>} : memref<2x512x128xf32, #tpu.memory_space<vmem>>, vector<1x512x128xf32>,
    %get3A_15 = arith.constant 0 : index
    %get3A_16 = arith.constant 0 : index
    %get3A_17 = vector.load %arg2[%get3A_15, %get3A_16] : memref<128x128xf32, #tpu.memory_space<vmem>>, vector<128x128xf32>
    %dot_general3A_18 = arith.constant dense<0.000000e+00> : vector<512x128xf32>
    %dot_general3A_19 = tpu.matmul %get3A_1, %get3A_17, %dot_general3A_18 {dimension_numbers = #tpu.dot_dimension_numbers<[1], [0], [0], [1], [0, 0, 1, 1], [], []>, transpose_lhs_hint = false} : vector<512x128xf32>, vector<128x128xf32>, vector<512x128xf32> -> vector<512x128xf32>
    %get3A_20 = arith.constant 0 : index
    %get3A_21 = arith.constant 0 : index
    %get3A_22 = vector.load %arg5[%get3A_20, %get3A_21] : memref<1x128xf32, #tpu.memory_space<vmem>>, vector<1x128xf32>
    %add3A_23 = vector.broadcast %get3A_22 : vector<1x128xf32> to vector<512x128xf32>
    %add3A_24 = arith.addf %dot_general3A_19, %add3A_23 : vector<512x128xf32>
    %swap3A_25 = arith.constant 1 : index
    %swap3A_26 = arith.constant 0 : index
    %swap3A_27 = arith.constant 0 : index
    %swap3A_28 = vector.load %arg7[%swap3A_25, %swap3A_26, %swap3A_27] : memref<2x512x128xf32, #tpu.memory_space<vmem>>, vector<1x512x128xf32>
    %swap3A_29 = vector.shape_cast %swap3A_28 : vector<1x512x128xf32> to vector<512x128xf32>
    %swap3A_30 = vector.shape_cast %add3A_24 : vector<512x128xf32> to vector<1x512x128xf32>
    tpu.vector_store %arg7[%swap3A_25, %swap3A_26, %swap3A_27], %swap3A_30 {strides = array<i32>} : memref<2x512x128xf32, #tpu.memory_space<vmem>>, vector<1x512x128xf32>,
    %get3A_31 = arith.constant 0 : index
    %get3A_32 = arith.constant 0 : index
    %get3A_33 = vector.load %arg3[%get3A_31, %get3A_32] : memref<128x128xf32, #tpu.memory_space<vmem>>, vector<128x128xf32>
    %dot_general3A_34 = arith.constant dense<0.000000e+00> : vector<512x128xf32>
    %dot_general3A_35 = tpu.matmul %get3A_1, %get3A_33, %dot_general3A_34 {dimension_numbers = #tpu.dot_dimension_numbers<[1], [0], [0], [1], [0, 0, 1, 1], [], []>, transpose_lhs_hint = false} : vector<512x128xf32>, vector<128x128xf32>, vector<512x128xf32> -> vector<512x128xf32>
    %get3A_36 = arith.constant 0 : index
    %get3A_37 = arith.constant 0 : index
    %get3A_38 = vector.load %arg6[%get3A_36, %get3A_37] : memref<1x128xf32, #tpu.memory_space<vmem>>, vector<1x128xf32>
    %add3A_39 = vector.broadcast %get3A_38 : vector<1x128xf32> to vector<512x128xf32>
    %add3A_40 = arith.addf %dot_general3A_35, %add3A_39 : vector<512x128xf32>
    %swap3A_41 = arith.constant 0 : index
    %swap3A_42 = arith.constant 0 : index
    %swap3A_43 = vector.load %arg8[%swap3A_41, %swap3A_42] : memref<512x128xf32, #tpu.memory_space<vmem>>, vector<512x128xf32>
    tpu.vector_store %arg8[%swap3A_41, %swap3A_42], %add3A_40 {strides = array<i32>} : memref<512x128xf32, #tpu.memory_space<vmem>>, vector<512x128xf32>,
    return
  }
}

module attributes {stable_mosaic.version = 14 : i64} {
  func.func @_deg_hist_body(%arg0: i32, %arg1: memref<1x3200x1xi32, #tpu.memory_space<vmem>>, %arg2: memref<80x128xf32, #tpu.memory_space<vmem>>) attributes {dimension_semantics = [#tpu.dimension_semantics<arbitrary>], iteration_bounds = array<i64: 100>, scalar_prefetch = 0 : i64, scratch_operands = 0 : i64, tpu.core_type = #tpu.core_type<tc>, window_params = [{transform_indices = @transform_0, window_bounds = array<i64: 1, 3200, 1>}, {pipeline_mode = #tpu.pipeline_mode<synchronous>, transform_indices = @transform_1, window_bounds = array<i64: 80, 128>}]} {
    %get3A = arith.constant 0 : index
    %get3A_0 = arith.constant 0 : index
    %get3A_1 = arith.constant 0 : index
    %get3A_2 = vector.load %arg1[%get3A, %get3A_0, %get3A_1] : memref<1x3200x1xi32, #tpu.memory_space<vmem>>, vector<1x3200x1xi32>
    %get3A_3 = vector.shape_cast %get3A_2 : vector<1x3200x1xi32> to vector<3200x1xi32>
    %jit3A = arith.constant 128 : i32
    %div3A = vector.broadcast %jit3A : i32 to vector<3200x1xi32>
    %div3A_4 = arith.divsi %get3A_3, %div3A : vector<3200x1xi32>
    %sign3A = arith.constant 0 : i32
    %sign3A_5 = vector.broadcast %sign3A : i32 to vector<3200x1xi32>
    %sign3A_6 = arith.cmpi sgt, %get3A_3, %sign3A_5 : vector<3200x1xi32>
    %sign3A_7 = arith.extui %sign3A_6 : vector<3200x1xi1> to vector<3200x1xi32>
    %sign3A_8 = arith.constant 0 : i32
    %sign3A_9 = vector.broadcast %sign3A_8 : i32 to vector<3200x1xi32>
    %sign3A_10 = arith.cmpi slt, %get3A_3, %sign3A_9 : vector<3200x1xi32>
    %sign3A_11 = arith.extui %sign3A_10 : vector<3200x1xi1> to vector<3200x1xi32>
    %sign3A_12 = arith.subi %sign3A_7, %sign3A_11 : vector<3200x1xi32>
    %sign3A_13 = arith.constant 0 : i32
    %sign3A_14 = arith.cmpi sgt, %jit3A, %sign3A_13 : i32
    %sign3A_15 = arith.extui %sign3A_14 : i1 to i32
    %sign3A_16 = arith.constant 0 : i32
    %sign3A_17 = arith.cmpi slt, %jit3A, %sign3A_16 : i32
    %sign3A_18 = arith.extui %sign3A_17 : i1 to i32
    %sign3A_19 = arith.subi %sign3A_15, %sign3A_18 : i32
    %ne3A = vector.broadcast %sign3A_19 : i32 to vector<3200x1xi32>
    %ne3A_20 = arith.cmpi ne, %sign3A_12, %ne3A : vector<3200x1xi32>
    %rem3A = vector.broadcast %jit3A : i32 to vector<3200x1xi32>
    %rem3A_21 = arith.remsi %get3A_3, %rem3A : vector<3200x1xi32>
    %ne3A_22 = arith.constant 0 : i32
    %ne3A_23 = vector.broadcast %ne3A_22 : i32 to vector<3200x1xi32>
    %ne3A_24 = arith.cmpi ne, %rem3A_21, %ne3A_23 : vector<3200x1xi32>
    %and3A = arith.andi %ne3A_20, %ne3A_24 : vector<3200x1xi1>
    %sub3A = arith.constant 1 : i32
    %sub3A_25 = vector.broadcast %sub3A : i32 to vector<3200x1xi32>
    %sub3A_26 = arith.subi %div3A_4, %sub3A_25 : vector<3200x1xi32>
    %select_n3A = arith.select %and3A, %sub3A_26, %div3A_4 : vector<3200x1xi1>, vector<3200x1xi32>
    %mul3A = arith.constant 128 : i32
    %mul3A_27 = vector.broadcast %mul3A : i32 to vector<3200x1xi32>
    %mul3A_28 = arith.muli %select_n3A, %mul3A_27 : vector<3200x1xi32>
    %sub3A_29 = arith.subi %get3A_3, %mul3A_28 : vector<3200x1xi32>
    %iota3A = tpu.iota {dimensions = array<i32: 1>} : vector<3200x80xi32>
    %eq3A = vector.broadcast %select_n3A : vector<3200x1xi32> to vector<3200x80xi32>
    %eq3A_30 = arith.cmpi eq, %eq3A, %iota3A : vector<3200x80xi32>
    %convert_element_type3A = arith.extui %eq3A_30 : vector<3200x80xi1> to vector<3200x80xi32>
    %convert_element_type3A_31 = arith.sitofp %convert_element_type3A : vector<3200x80xi32> to vector<3200x80xf32>
    %iota3A_32 = tpu.iota {dimensions = array<i32: 1>} : vector<3200x128xi32>
    %eq3A_33 = vector.broadcast %sub3A_29 : vector<3200x1xi32> to vector<3200x128xi32>
    %eq3A_34 = arith.cmpi eq, %eq3A_33, %iota3A_32 : vector<3200x128xi32>
    %convert_element_type3A_35 = arith.extui %eq3A_34 : vector<3200x128xi1> to vector<3200x128xi32>
    %convert_element_type3A_36 = arith.sitofp %convert_element_type3A_35 : vector<3200x128xi32> to vector<3200x128xf32>
    %dot_general3A = arith.constant dense<0.000000e+00> : vector<80x128xf32>
    %dot_general3A_37 = tpu.matmul %convert_element_type3A_31, %convert_element_type3A_36, %dot_general3A {dimension_numbers = #tpu.dot_dimension_numbers<[0], [0], [1], [1], [0, 1, 1, 1], [], []>, transpose_lhs_hint = false} : vector<3200x80xf32>, vector<3200x128xf32>, vector<80x128xf32> -> vector<80x128xf32>
    %eq3A_38 = arith.constant 0 : i32
    %eq3A_39 = arith.cmpi eq, %arg0, %eq3A_38 : i32
    %convert_element_type3A_40 = arith.extui %eq3A_39 : i1 to i32
    %cond3A = arith.constant 0 : i32
    %cond3A_41 = arith.cmpi ne, %convert_element_type3A_40, %cond3A : i32
    scf.if %cond3A_41 {
      %broadcast_in_dim3A = arith.constant 0.000000e+00 : f32
      %broadcast_in_dim3A_47 = vector.broadcast %broadcast_in_dim3A : f32 to vector<80x128xf32>
      %swap3A_48 = arith.constant 0 : index
      %swap3A_49 = arith.constant 0 : index
      %swap3A_50 = vector.load %arg2[%swap3A_48, %swap3A_49] : memref<80x128xf32, #tpu.memory_space<vmem>>, vector<80x128xf32>
      tpu.vector_store %arg2[%swap3A_48, %swap3A_49], %broadcast_in_dim3A_47 {strides = array<i32>} : memref<80x128xf32, #tpu.memory_space<vmem>>, vector<80x128xf32>,
    } else {
    }
    %get3A_42 = arith.constant 0 : index
    %get3A_43 = arith.constant 0 : index
    %get3A_44 = vector.load %arg2[%get3A_42, %get3A_43] : memref<80x128xf32, #tpu.memory_space<vmem>>, vector<80x128xf32>
    %add3A = arith.addf %get3A_44, %dot_general3A_37 : vector<80x128xf32>
    %swap3A = arith.constant 0 : index
    %swap3A_45 = arith.constant 0 : index
    %swap3A_46 = vector.load %arg2[%swap3A, %swap3A_45] : memref<80x128xf32, #tpu.memory_space<vmem>>, vector<80x128xf32>
    tpu.vector_store %arg2[%swap3A, %swap3A_45], %add3A {strides = array<i32>} : memref<80x128xf32, #tpu.memory_space<vmem>>, vector<80x128xf32>,
    return
  }
  func.func @transform_0(%arg0: i32) -> (i32, i32, i32) {
    %c0_i32 = arith.constant 0 : i32
    %c0_i32_0 = arith.constant 0 : i32
    %c0_i32_1 = arith.constant 0 : i32
    return %arg0, %c0_i32, %c0_i32_0 : i32, i32, i32
  }
  func.func @transform_1(%arg0: i32) -> (i32, i32) {
    %c0_i32 = arith.constant 0 : i32
    %c0_i32_0 = arith.constant 0 : i32
    %c0_i32_1 = arith.constant 0 : i32
    return %c0_i32, %c0_i32_0 : i32, i32
  }
}

module attributes {stable_mosaic.version = 14 : i64} {
  func.func @_post_body(%arg0: i32, %arg1: memref<2048x128xf32, #tpu.memory_space<vmem>>, %arg2: memref<2048x1xf32, #tpu.memory_space<vmem>>, %arg3: memref<2048x128xf32, #tpu.memory_space<vmem>>, %arg4: memref<2048x128xf32, #tpu.memory_space<vmem>>) attributes {dimension_semantics = [#tpu.dimension_semantics<arbitrary>], iteration_bounds = array<i64: 5>, scalar_prefetch = 0 : i64, scratch_operands = 0 : i64, tpu.core_type = #tpu.core_type<tc>, window_params = [{transform_indices = @transform_0, window_bounds = array<i64: 2048, 128>}, {transform_indices = @transform_1, window_bounds = array<i64: 2048, 1>}, {transform_indices = @transform_2, window_bounds = array<i64: 2048, 128>}, {transform_indices = @transform_3, window_bounds = array<i64: 2048, 128>}]} {
    %get3A = arith.constant 0 : index
    %get3A_0 = arith.constant 0 : index
    %get3A_1 = vector.load %arg2[%get3A, %get3A_0] : memref<2048x1xf32, #tpu.memory_space<vmem>>, vector<2048x1xf32>
    %get3A_2 = arith.constant 0 : index
    %get3A_3 = arith.constant 0 : index
    %get3A_4 = vector.load %arg3[%get3A_2, %get3A_3] : memref<2048x128xf32, #tpu.memory_space<vmem>>, vector<2048x128xf32>
    %get3A_5 = arith.constant 0 : index
    %get3A_6 = arith.constant 0 : index
    %get3A_7 = vector.load %arg1[%get3A_5, %get3A_6] : memref<2048x128xf32, #tpu.memory_space<vmem>>, vector<2048x128xf32>
    %max3A = arith.constant 1.000000e+00 : f32
    %max3A_8 = vector.broadcast %max3A : f32 to vector<2048x1xf32>
    %max3A_9 = arith.maximumf %get3A_1, %max3A_8 : vector<2048x1xf32>
    %div3A = vector.broadcast %max3A_9 : vector<2048x1xf32> to vector<2048x128xf32>
    %div3A_10 = arith.divf %get3A_7, %div3A : vector<2048x128xf32>
    %add3A = arith.addf %get3A_4, %div3A_10 : vector<2048x128xf32>
    %swap3A = arith.constant 0 : index
    %swap3A_11 = arith.constant 0 : index
    %swap3A_12 = vector.load %arg4[%swap3A, %swap3A_11] : memref<2048x128xf32, #tpu.memory_space<vmem>>, vector<2048x128xf32>
    tpu.vector_store %arg4[%swap3A, %swap3A_11], %add3A {strides = array<i32>} : memref<2048x128xf32, #tpu.memory_space<vmem>>, vector<2048x128xf32>,
    return
  }
  func.func @transform_0(%arg0: i32) -> (i32, i32) {
    %c0_i32 = arith.constant 0 : i32
    %c0_i32_0 = arith.constant 0 : i32
    return %arg0, %c0_i32 : i32, i32
  }
  func.func @transform_1(%arg0: i32) -> (i32, i32) {
    %c0_i32 = arith.constant 0 : i32
    %c0_i32_0 = arith.constant 0 : i32
    return %arg0, %c0_i32 : i32, i32
  }
  func.func @transform_2(%arg0: i32) -> (i32, i32) {
    %c0_i32 = arith.constant 0 : i32
    %c0_i32_0 = arith.constant 0 : i32
    return %arg0, %c0_i32 : i32, i32
  }
  func.func @transform_3(%arg0: i32) -> (i32, i32) {
    %c0_i32 = arith.constant 0 : i32
    %c0_i32_0 = arith.constant 0 : i32
    return %arg0, %c0_i32 : i32, i32
  }
}

</mosaic_0001>

<sc_bundles>
// kernel: kernel.7.cloned.1.call-start
scs
__scs_entry_jumppad:
0x0: {  	(pc) =	sbr.rel $0x88, $3  }
0x1: {  	(tag) =	ssettag $0x0;
	lr =	simm.s32 $0x1  }
0x2: {  	[smem:$0x3F94] =	sst lr;
	_ =	strace $0xD0000000  }
0x3: {  	_ = 	snop  }
0x4: {  	_ = 	snop  }
0x5: {  	_ = 	snop  }
0x6: {  	_ = 	snop  }
0x7: {  	_ = 	snop  }
__scs_overlays_trampoline_lowered:
0x8: {  	[smem:$0x3FA3] =	sst s0  }
0x9: {  	[smem:$0x3FA4] =	sst s1  }
0xa: {  	[smem:$0x3FA5] =	sst s2  }
0xb: {  	[smem:$0x3FA6] =	sst s3  }
0xc: {  	[smem:$0x3FA7] =	sst s4  }
0xd: {  	[smem:$0x3FA8] =	sst s5  }
0xe: {  	[smem:$0x3FA9] =	sst s6  }
0xf: {  	[smem:$0x3FAA] =	sst s7  }
0x10: {  	[smem:$0x3FAB] =	sst s8  }
0x11: {  	[smem:$0x3FAC] =	sst s9;
	s0 =	simm.s32 @!p0 $0x0  }
0x12: {  	s1 =	sld [smem:$0x3F92];
	s0 =	simm.s32 @p0 $0x1  }
0x13: {  	[smem:$0x3FAD] =	sst s0;
	s0 =	simm.s32 @!p1 $0x0  }
0x14: {  	s2 =	sld [smem:$0x3F91];
	s0 =	simm.s32 @p1 $0x1  }
0x15: {  	[smem:$0x3FAE] =	sst s0;
	s0 =	simm.s32 @!p2 $0x0  }
0x16: {  	s3 =	sld [smem:$0x3FDB];
	s0 =	simm.s32 @p2 $0x1  }
0x17: {  	s4 =	simm.s32 $0x1BF5;
	[smem:$0x3FB0] =	sst s0  }
0x18: {  	s0 =	sld [smem:$0x3F93];
	_ =	swait.ge [sflag:s4], $0x0  }
0x19: {  	s7 =	sld [smem:$0x3F94]  }
0x1a: {  	s8 =	sadd.s32 $0xFFFFE003, lr  }
0x1b: {  	s9 =	sadd.s32 $0xFFFFFEF7, lr;
	s5 =	simm.s32 $0xFFFFFFFF;
	p2 =	slt.u32 s8, $0xFFFFF086  }
0x1c: {  	p1 =	slt.u32 s9, $0xF7A;
	s5 =	simm.s32 @!p2 $0x0  }
0x1d: {  	s5 =	simm.s32 @p1 $0x1;
	p0 =	seq.s32 s7, s2  }
0x1e: {  	s7 =	smul.u32 @!p0 $0xF7A, s2;
	p2 =	seq.s32 @!p0 s5, $0x0  }
0x1f: {  	s9 =	smul.u32 $0xF7A, s1;
	s8 =	simm.s32 @!p0 $0x1BF5;
	p2 =	por !p2, p0  }
0x20: {  	[sflag:s8] =	ssyncset.s32 @!p0 $0xFFFFF086;
	s6 =	sadd.s32 @!p0 s3, s7;
	s7 =	simm.s32 @!p0 $0x108  }
0x21: {  	s3 =	sadd.s32 s3, s9;
	s6 =	sadd.s32 @!p0 $0x88, s6;
	s7 =	simm.s32 @p2 $0x1082  }
0x22: {  	[simem:s7], [sflag:s8] =	dma.local @!p0 [hbm:s6], $0xF7A  }
0x23: {  	s9 =	sor.u32 $0xD0000000, s2;
	s6 =	simm.s32 $0x108;
	_ =	swait.ge @!p0 [sflag:s8], $0x0  }
0x24: {  	s3 =	sadd.s32 $0x88, s3;
	s6 =	simm.s32 @!p1 $0x1082;
	[sflag:s4] =	ssyncset.s32 $0xFFFFF086  }
0x25: {  	[simem:s6], [sflag:s4] =	dma.local [hbm:s3], $0xF7A  }
0x26: {  	[smem:$0x3F94] =	sst s1;
	(tag) =	ssettag s2;
	_ =	strace s9  }
0x27: {  	s1 =	sld [smem:$0x3FA4]  }
0x28: {  	s2 =	sld [smem:$0x3FA5]  }
0x29: {  	s4 =	sld [smem:$0x3FA7]  }
0x2a: {  	p0 =	seq.s32 s5, $0x0;
	s5 =	sld [smem:$0x3FA8]  }
0x2b: {  	s6 =	sld [smem:$0x3FA9]  }
0x2c: {  	s7 =	sld [smem:$0x3FAA]  }
0x2d: {  	s3 =	simm.s32 $0x108;
	s8 =	sld [smem:$0x3FAB]  }
0x2e: {  	s3 =	simm.s32 @!p0 $0x1082;
	s9 =	sld [smem:$0x3FAC]  }
0x2f: {  	lr =	sadd.s32 s0, s3;
	s0 =	sld [smem:$0x3FA3]  }
0x30: {  	s3 =	sld [smem:$0x3FA6]  }
0x31: {  	[smem:$0x3FAF] =	sst s10  }
0x32: {  	s10 =	sld [smem:$0x3FAD];
	_ =	sdelay $0x3  }
0x33: {  	p0 =	seq.s32 s10, $0x1;
	s10 =	sld [smem:$0x3FAF];
	_ =	sdelay $0x3  }
0x34: {  	[smem:$0x3FAF] =	sst s10  }
0x35: {  	s10 =	sld [smem:$0x3FAE];
	_ =	sdelay $0x3  }
0x36: {  	p1 =	seq.s32 s10, $0x1;
	s10 =	sld [smem:$0x3FAF];
	_ =	sdelay $0x3  }
0x37: {  	[smem:$0x3FAF] =	sst s10  }
0x38: {  	s10 =	sld [smem:$0x3FB0]  }
0x39: {  	_ = 	snop;
	(pc) =	sbr.ind lr, $3  }
0x3a: {  	_ = 	snop  }
0x3b: {  	_ = 	snop  }
0x3c: {  	p2 =	seq.s32 s10, $0x1;
	s10 =	sld [smem:$0x3FAF]  }
0x3d: {  	_ =	shalt  }
0x3e: {  	_ =	shalt  }
0x3f: {  	_ =	shalt  }
0x40: {  	_ =	shalt  }
0x41: {  	_ =	shalt  }
0x42: {  	_ =	shalt  }
0x43: {  	_ =	shalt  }
0x44: {  	_ =	shalt  }
0x45: {  	_ =	shalt  }
0x46: {  	_ =	shalt  }
0x47: {  	_ =	shalt  }
0x48: {  	_ =	shalt  }
0x49: {  	_ =	shalt  }
0x4a: {  	_ =	shalt  }
0x4b: {  	_ =	shalt  }
0x4c: {  	_ =	shalt  }
0x4d: {  	_ =	shalt  }
0x4e: {  	_ =	shalt  }
0x4f: {  	_ =	shalt  }
0x50: {  	_ =	shalt  }
0x51: {  	_ =	shalt  }
0x52: {  	_ =	shalt  }
0x53: {  	_ =	shalt  }
0x54: {  	_ =	shalt  }
0x55: {  	_ =	shalt  }
0x56: {  	_ =	shalt  }
0x57: {  	_ =	shalt  }
0x58: {  	_ =	shalt  }
0x59: {  	_ =	shalt  }
0x5a: {  	_ =	shalt  }
0x5b: {  	_ =	shalt  }
0x5c: {  	_ =	shalt  }
0x5d: {  	_ =	shalt  }
0x5e: {  	_ =	shalt  }
0x5f: {  	_ =	shalt  }
0x60: {  	_ =	shalt  }
0x61: {  	_ =	shalt  }
0x62: {  	_ =	shalt  }
0x63: {  	_ =	shalt  }
0x64: {  	_ =	shalt  }
0x65: {  	_ =	shalt  }
0x66: {  	_ =	shalt  }
0x67: {  	_ =	shalt  }
0x68: {  	_ =	shalt  }
0x69: {  	_ =	shalt  }
0x6a: {  	_ =	shalt  }
0x6b: {  	_ =	shalt  }
0x6c: {  	_ =	shalt  }
0x6d: {  	_ =	shalt  }
0x6e: {  	_ =	shalt  }
0x6f: {  	_ =	shalt  }
0x70: {  	_ =	shalt  }
0x71: {  	_ =	shalt  }
0x72: {  	_ =	shalt  }
0x73: {  	_ =	shalt  }
0x74: {  	_ =	shalt  }
0x75: {  	_ =	shalt  }
0x76: {  	_ =	shalt  }
0x77: {  	_ =	shalt  }
0x78: {  	_ =	shalt  }
0x79: {  	_ =	shalt  }
0x7a: {  	_ =	shalt  }
0x7b: {  	_ =	shalt  }
0x7c: {  	_ =	shalt  }
0x7d: {  	_ =	shalt  }
0x7e: {  	_ =	shalt  }
0x7f: {  	_ =	shalt  }
0x80: {  	_ =	shalt  }
0x81: {  	_ =	shalt  }
0x82: {  	_ =	shalt  }
0x83: {  	_ =	shalt  }
0x84: {  	_ =	shalt  }
0x85: {  	_ =	shalt  }
0x86: {  	_ =	shalt  }
0x87: {  	_ =	shalt  }
.Lfunc_end0:
.L_simem_size_0:
called_computation_lowered:
.L_overlay_start_0:
0x88: {  	s2 =	sld [smem:$0x3FD9]  }
0x89: {  	s3 =	sld [smem:$0x3FFE];
	_ =	sdelay $0x1  }
0x8a: {  	s1 =	srdreg.scid  }
0x8b: {  	s0 =	sand.u32 $0x1, s1  }
0x8c: {  	s14 =	sshll.u32 s0, $0xA;
	s2 =	sadd.s32 s3, s2  }
0x8d: {  	s2 =	sadd.s32 s2, s14  }
0x8e: {  	[smem:$0x3FBB] =	sst s2  }
0x8f: {  	_ = 	snop  }
0x90: {  	s2 =	sld [smem:$0x3FD0];
	_ =	sdelay $0x2  }
0x91: {  	s15 =	simm.s32 $0xA;
	s4 =	simm.s32 $0x10  }
0x92: {  	[smem:s4], [sflag:s15] =	dma.local [hbm:s2], $0x1  }
0x93: {  	_ =	swait.eq [sflag:s15], $0x1  }
0x94: {  	[sflag:s15] =	ssyncset.done $0x0  }
0x95: {  	[sflag:s15] =	ssyncadd.s32 $0xFFFFFFFF  }
0x96: {  	s16 =	sld [smem:$0x10];
	(tm) =	ssettm $0x1  }
0x97: {  	s17 =	sld [smem:$0x3FFB];
	_ =	sdelay $0x3  }
0x98: {  	_ =	strace s17  }
0x99: {  	s3 =	sld [smem:$0x3FFC];
	_ =	sdelay $0x3  }
0x9a: {  	_ =	strace s3  }
0x9b: {  	s3 =	sld [smem:$0x3FFD];
	_ =	sdelay $0x3  }
0x9c: {  	_ =	strace s3  }
0x9d: {  	_ =	strace $0x8FFFFFFF  }
0x9e: {  	s18 =	sld [smem:$0x3FDB];
	_ =	sdelay $0x1  }
0x9f: {  	s19 =	simm.s32 $_scs_section_size  }
0xa0: {  	s5 =	simm.s32 $_size__tile_overlayer_lowered;
	s6 =	simm.s32 $_tile_overlayer_lowered  }
0xa1: {  	s22 =	simm.s32 $0x1BFF;
	s21 =	sshll.u32 s6, $0x1;
	s3 =	sadd.s32 s19, s18  }
0xa2: {  	s7 =	simm.s32 $0x0;
	s20 =	sshll.u32 s5, $0x1;
	s5 =	sadd.s32 s21, s3  }
0xa3: {  	[timem:s7], [sflag:s22] =	dma.local [hbm:s5], s20  }
0xa4: {  	_ =	swait.ge [sflag:s22], s20  }
0xa5: {  	s4 =	ssub.s32 $0x0, s20;
	[sflag:s22] =	ssyncset.done $0x0  }
0xa6: {  	[sflag:s22] =	ssyncadd.s32 s4;
	_ =	sdelay $0x1  }
0xa7: {  	s23 =	simm.s32 $0x1B8B  }
0xa8: {  	_ =	swait.ge [sflag:s23], $0x1  }
0xa9: {  	[sflag:s23] =	ssyncset.done $0x0  }
0xaa: {  	s25 =	simm.s32 $0x1B8E;
	s24 =	sld [smem:$0x3FFE];
	[sflag:s23] =	ssyncadd.s32 $0xFFFFFFFF  }
0xab: {  	s26 =	simm.s32 $execute0_lowered;
	[smem:$0x3FD2] =	sst s25  }
0xac: {  	s5 =	sshll.u32 s26, $0x1;
	_ =	strace $0x80000046;
	[dreg:$0x1] =	wrdreg $0xFFFFFFFF  }
0xad: {  	s28 =	simm.s32 $_size_execute0_lowered;
	s3 =	sadd.s32 s3, s5;
	[dreg:$0x0] =	wrdreg $0x0  }
0xae: {  	s5 =	sshll.u32 s28, $0x1;
	[dreg:$0x2] =	wrdreg s3  }
0xaf: {  	[dreg:$0x3] =	wrdreg s5  }
0xb0: {  	[dreg:$0x4] =	wrdreg $0xC0  }
0xb1: {  	_ =	task [dreg:s7], $0x5FFFF  }
0xb2: {  	[dreg:$0x1] =	wrdreg $0xFFFFFFFF  }
0xb3: {  	[dreg:$0x0] =	wrdreg $0x60  }
0xb4: {  	[dreg:$0x2] =	wrdreg s24  }
0xb5: {  	[dreg:$0x3] =	wrdreg s16  }
0xb6: {  	[dreg:$0x4] =	wrdreg $0x0  }
0xb7: {  	[dreg:$0x5] =	wrdreg $0x9  }
0xb8: {  	_ =	task.clear_ibuf [dreg:s7], $0x6FFFF;
	_ =	strace $0x90000046  }
0xb9: {  	s29 =	simm.s32 $0x9;
	_ =	strace $0x80000048  }
0xba: {  	_ =	swait.ge [sflag:s29], $0x1  }
0xbb: {  	[sflag:s29] =	ssyncadd.s32 $0xFFFFFFFF  }
0xbc: {  	_ =	strace $0x90000048  }
0xbd: {  	_ =	sfence  }
0xbe: {  	s30 =	sld [smem:$0x0];
	_ =	sdelay $0x2  }
0xbf: {  	s31 =	sshll.u32 s1, $0xD;
	s1 =	sshrl.u32 s1, $0x2  }
0xc0: {  	s3 =	sand.u32 $0x4000, s31;
	s1 =	sadd.s32 s1, s30  }
0xc1: {  	s0 =	sor.u32 s3, s0;
	s1 =	sshll.u32 s1, $0x11  }
0xc2: {  	s0 =	sor.u32 s1, s0  }
0xc3: {  	s0 =	sadd.s32 $0x8F2B, s0  }
0xc4: {  	[sflag:s0] =	ssyncadd.remote.s32 $0x1  }
0xc5: {  	_ =	sfence.sel $0xFFFF  }
0xc6: {  	[dreg:$0x0] =	wrdreg $0xFFFFFFFF;
	(pc) =	sbr.abs _section_cstart, $3  }
0xc7: {  	[dreg:$0x1] =	wrdreg $0xFFFFFFFF  }
0xc8: {  	_ =	task.clear_ibuf [dreg:s7], $0x2FFFF;
	_ =	strace $0x9FFFFFFF  }
0xc9: {  	(tm) =	ssettm $0x7FFFFFFF  }
tec
execute0_lowered:
.L_overlay_start_1:
0x0: {  	(tag) =	ssettag $0x1  }
0x1: {  	s0 =	rddreg [dreg:$0x0]  }
0x2: {  	s5 =	rddreg [dreg:$0x1]  }
0x3: {  	s1 =	rddreg [dreg:$0x2]  }
0x4: {  	s2 =	srdreg.scid;
	s7 =	stileid.u32  }
0x5: {  	s28 =	simm.s32 $0x7;
	s29 =	simm.s32 $0xA280;
	s30 =	simm.s32 $0xA300  }
0x6: {  	s31 =	simm.s32 $0xA380;
	s6 =	sand.u32 $0x1, s2;
	s2 =	simm.s32 $0x0  }
0x7: {  	s8 =	smul.u32 $0x140, s7;
	s3 =	sadd.s32 $0x65A00, s0;
	s4 =	sadd.s32 $0x15A00, s0  }
0x8: {  	s9 =	sadd.s32 $0xBC00, s0;
	s10 =	smul.u32 $0xA000, s7;
	s11 =	sadd.s32 $0x1E00, s0  }
0x9: {  	s12 =	sadd.s32 $0x69A00, s0;
	s19 =	smul.u32 $0x4E20, s7;
	s23 =	sadd.s32 $0xA0000, s1  }
0xa: {  	s26 =	smul.u32 $0x28000, s7;
	p0 =	sne.s32 s7, $0x0;
	[smem:$0x7FF] =	sst s2  }
0xb: {  	s16 =	smul.u32 $0x1400, s6;
	s15 =	ssub.s32 $0x2, s6;
	_ =	strace $0x80000047  }
0xc: {  	[dreg:$0x7] =	wrdreg s12;
	s17 =	sshrl.u32 s10, $0x2;
	s24 =	sshrl.u32 s19, $0x3  }
0xd: {  	s18 =	sshrl.u32 s15, $0x1;
	[dreg:$0xb] =	wrdreg s23;
	s12 =	sadd.s32 s9, s24  }
0xe: {  	s8 =	sadd.s32 s8, s16;
	s25 =	sadd.s32 s11, s24;
	[dreg:$0xc] =	wrdreg s12  }
0xf: {  	s6 =	sadd.s32 s17, s1;
	s13 =	sadd.s32 s5, s24;
	[dreg:$0xd] =	wrdreg s25  }
0x10: {  	s10 =	sadd.s32 $0x9BA, s24;
	s20 =	sadd.s32 $0x28000, s6;
	[dreg:$0xe] =	wrdreg s13  }
0x11: {  	v0 =	vmov s16;
	s16 =	simm.s32 $0x3;
	s21 =	sadd.s32 $0x50000, s6;
	[dreg:$0x8] =	wrdreg s20  }
0x12: {  	s8 =	sshll.u32 s8, $0x4;
	s22 =	sadd.s32 $0x78000, s6;
	[dreg:$0x9] =	wrdreg s21  }
0x13: {  	s14 =	sadd.s32 s9, s10;
	s17 =	sadd.s32 s11, s10;
	[dreg:$0xa] =	wrdreg s22  }
0x14: {  	s12 =	sshrl.u32 s26, $0x2;
	s10 =	sadd.s32 s5, s10;
	[dreg:$0xf] =	wrdreg s14  }
0x15: {  	s13 =	simm.s32 $0x11D80;
	s0 =	sadd.s32 s8, s0;
	[dreg:$0x10] =	wrdreg s17  }
0x16: {  	s8 =	ssub.s32 s15, s18;
	s15 =	smul.u32 $0x9C4, s7;
	[dreg:$0x11] =	wrdreg s10  }
0x17: {  	s17 =	sadd.s32 s12, s1;
	s7 =	simm.s32 $0xCD80;
	s18 =	sadd.s32 $0x6A000, s0  }
0x18: {  	s10 =	simm.s32 $0xA500;
	s20 =	sadd.s32 $0x2800, s17;
	[dreg:$0x12] =	wrdreg s18  }
0x19: {  	s12 =	simm.s32 $0xF580;
	s22 =	sadd.s32 $0x6A500, s0;
	[dreg:$0x13] =	wrdreg s20  }
0x1a: {  	s14 =	simm.s32 $0x1;
	s23 =	sadd.s32 $0x5000, s17;
	[dreg:$0x14] =	wrdreg s22  }
0x1b: {  	s24 =	sadd.s32 $0x6AA00, s0;
	s0 =	sadd.s32 $0x6AF00, s0;
	[dreg:$0x15] =	wrdreg s23  }
0x1c: {  	s25 =	smax.u32 s8, $0x1;
	s26 =	sadd.s32 $0x7800, s17;
	[dreg:$0x16] =	wrdreg s24  }
0x1d: {  	s8 =	simm.s32 $0xA400;
	s5 =	sadd.s32 s15, s5;
	[dreg:$0x17] =	wrdreg s0  }
0x1e: {  	s19 =	sadd.s32 s15, s11;
	s21 =	sadd.s32 s15, s9;
	[dreg:$0x18] =	wrdreg s25  }
0x1f: {  	[dreg:$0x19] =	wrdreg s26;
	s26 =	simm.s32 $0xA580;
	s0 =	simm.s32 $0x5  }
0x20: {  	s9 =	simm.s32 $0xA480;
	s11 =	simm.s32 $0x6;
	[dreg:$0x4] =	wrdreg s5  }
0x21: {  	s15 =	simm.s32 $0x2;
	s18 =	simm.s32 $0x4;
	[dreg:$0x5] =	wrdreg s19  }
0x22: {  	[dreg:$0x6] =	wrdreg s21;
	s5 =	simm.s32 $0x50;
	s19 =	simm.s32 $0x0  }
.LBB2_1:
0x23: {  	s20 =	rddreg [dreg:$0x7]  }
0x24: {  	[tilespmem:s26], [sflag:$0x7] =	stream.linear.gather [hbm4b:s20+s2], $0x2800, $0x38;
	[tilespmem:$0x14580] =	vst v63  }
0x25: {  	_ =	swait.ge [sflag:s28], $0x2800  }
0x26: {  	[sflag:s28] =	ssyncset.done $0x0  }
0x27: {  	[sflag:s28] =	ssyncadd.s32 $0xFFFFD800  }
0x28: {  	[spmem:s6] =	stream.linear.scatter [tilespmem:s26], [sflag:$0x7], $0x2800, $0x38;
	[tilespmem:$0x14580] =	vst v63  }
0x29: {  	_ =	swait.ge [sflag:s28], $0x2800  }
0x2a: {  	[sflag:s28] =	ssyncset.done $0x0  }
0x2b: {  	s23 =	rddreg [dreg:$0x8];
	[sflag:s28] =	ssyncadd.s32 $0xFFFFD800  }
0x2c: {  	[spmem:s23] =	stream.linear.scatter [tilespmem:s26], [sflag:$0x7], $0x2800, $0x38;
	[tilespmem:$0x14580] =	vst v63  }
0x2d: {  	_ =	swait.ge [sflag:s28], $0x2800  }
0x2e: {  	[sflag:s28] =	ssyncset.done $0x0  }
0x2f: {  	s24 =	rddreg [dreg:$0x9];
	[sflag:s28] =	ssyncadd.s32 $0xFFFFD800  }
0x30: {  	[spmem:s24] =	stream.linear.scatter [tilespmem:s26], [sflag:$0x7], $0x2800, $0x38;
	[tilespmem:$0x14580] =	vst v63  }
0x31: {  	_ =	swait.ge [sflag:s28], $0x2800  }
0x32: {  	[sflag:s28] =	ssyncset.done $0x0  }
0x33: {  	s25 =	rddreg [dreg:$0xa];
	[sflag:s28] =	ssyncadd.s32 $0xFFFFD800  }
0x34: {  	[spmem:s25] =	stream.linear.scatter [tilespmem:s26], [sflag:$0x7], $0x2800, $0x38;
	[tilespmem:$0x14580] =	vst v63  }
0x35: {  	_ =	swait.ge [sflag:s28], $0x2800  }
0x36: {  	[sflag:s28] =	ssyncset.done $0x0  }
0x37: {  	s20 =	simm.s32 @!p0 $0xA580;
	s21 =	rddreg [dreg:$0xb];
	[sflag:s28] =	ssyncadd.s32 $0xFFFFD800  }
0x38: {  	[spmem:s21] =	stream.linear.scatter @!p0 [tilespmem:s20], [sflag:$0x7], $0x2800, $0x38;
	[tilespmem:$0x14580] =	vst v63  }
0x39: {  	s20 =	simm.s32 @!p0 $0x7  }
0x3a: {  	_ =	swait.ge @!p0 [sflag:s20], $0x2800  }
0x3b: {  	[sflag:s20] =	ssyncset.done @!p0 $0x0  }
0x3c: {  	[sflag:s20] =	ssyncadd.s32 @!p0 $0xFFFFD800  }
0x3d: {  	[bflag:$0x0] =	sbarrier.arrive $0xFFFF  }
0x3e: {  	s21 =	rddreg [dreg:$0xc]  }
0x3f: {  	[tilespmem:s29], [sflag:$0x5] =	stream.linear.gather [hbm4b:s21+s2], $0x50, $0x38;
	[tilespmem:$0x14580] =	vst v63  }
0x40: {  	s22 =	rddreg [dreg:$0xd]  }
0x41: {  	[tilespmem:s30], [sflag:$0x5] =	stream.linear.gather [hbm4b:s22+s2], $0x50, $0x38;
	[tilespmem:$0x14580] =	vst v63  }
0x42: {  	s23 =	rddreg [dreg:$0xe]  }
0x43: {  	[tilespmem:s31], [sflag:$0x5] =	stream.linear.gather [hbm4b:s23+s2], $0x50, $0x38;
	[tilespmem:$0x14580] =	vst v63  }
0x44: {  	_ =	swait.ge [sflag:s0], $0x50  }
0x45: {  	[sflag:s0] =	ssyncset.done $0x0  }
0x46: {  	[sflag:s0] =	ssyncadd.s32 $0xFFFFFFB0  }
0x47: {  	_ =	swait.ge [sflag:s0], $0x50  }
0x48: {  	[sflag:s0] =	ssyncset.done $0x0  }
0x49: {  	[sflag:s0] =	ssyncadd.s32 $0xFFFFFFB0  }
0x4a: {  	_ =	swait.ge [sflag:s0], $0x50  }
0x4b: {  	[sflag:s0] =	ssyncset.done $0x0  }
0x4c: {  	[sflag:s0] =	ssyncadd.s32 $0xFFFFFFB0  }
0x4d: {  	[tilespmem:s26], [sflag:$0x1] =	stream.indirect.gather [hbm4b:s3+s5], $0x80, s29, s5, $0xb8;
	[tilespmem:$0x14580] =	vst v63  }
0x4e: {  	_ = 	snop  }
0x4f: {  	[tilespmem:s7], [sflag:$0x2] =	stream.indirect.gather [hbm4b:s4+s5], $0x80, s30, s5, $0xb8;
	[tilespmem:$0x14580] =	vst v63  }
0x50: {  	v1 =	vld [tilespmem:$0xA380]  }
0x51: {  	v2 =	vld [tilespmem:$0xA390]  }
0x52: {  	v3 =	vld [tilespmem:$0xA3A0]  }
0x53: {  	v4 =	vld [tilespmem:$0xA3B0]  }
0x54: {  	v5 =	vld [tilespmem:$0xA3C0]  }
0x55: {  	v1 =	vsub.s32 v1, v0  }
0x56: {  	v2 =	vsub.s32 v2, v0;
	v1 =	vmin.u32 v1, $0x1400  }
0x57: {  	[tilespmem:$0xA380] =	vst v1;
	v1 =	vmin.u32 v2, $0x1400;
	v2 =	vsub.s32 v3, v0  }
0x58: {  	[tilespmem:$0xA390] =	vst v1;
	v1 =	vmin.u32 v2, $0x1400;
	v2 =	vsub.s32 v4, v0  }
0x59: {  	s24 =	rddreg [dreg:$0x6];
	[tilespmem:$0xA3A0] =	vst v1;
	v1 =	vmin.u32 v2, $0x1400;
	v2 =	vsub.s32 v5, v0  }
0x5a: {  	s25 =	rddreg [dreg:$0x5];
	s20 =	sadd.s32 $0x0, s24;
	[tilespmem:$0xA3B0] =	vst v1;
	v1 =	vmin.u32 v2, $0x1400  }
0x5b: {  	s22 =	rddreg [dreg:$0x4];
	s21 =	sadd.s32 $0x0, s25;
	s23 =	sadd.s32 $0xA, s20;
	[tilespmem:$0xA3C0] =	vst v1  }
0x5c: {  	[tilespmem:s8], [sflag:$0x6] =	stream.linear.gather [hbm4b:s23+s2], $0x50, $0x38;
	[tilespmem:$0x14580] =	vst v63  }
0x5d: {  	s22 =	sadd.s32 $0x0, s22;
	s24 =	sadd.s32 $0xA, s21  }
0x5e: {  	[tilespmem:s9], [sflag:$0x6] =	stream.linear.gather [hbm4b:s24+s2], $0x50, $0x38;
	[tilespmem:$0x14580] =	vst v63  }
0x5f: {  	s25 =	sadd.s32 $0xA, s22  }
0x60: {  	[tilespmem:s10], [sflag:$0x6] =	stream.linear.gather [hbm4b:s25+s2], $0x50, $0x38;
	[tilespmem:$0x14580] =	vst v63  }
0x61: {  	_ =	swait.ge [sflag:s11], $0x50  }
0x62: {  	[sflag:s11] =	ssyncset.done $0x0  }
0x63: {  	[sflag:s11] =	ssyncadd.s32 $0xFFFFFFB0  }
0x64: {  	_ =	swait.ge [sflag:s11], $0x50  }
0x65: {  	[sflag:s11] =	ssyncset.done $0x0  }
0x66: {  	[sflag:s11] =	ssyncadd.s32 $0xFFFFFFB0  }
0x67: {  	_ =	swait.ge [sflag:s11], $0x50  }
0x68: {  	[sflag:s11] =	ssyncset.done $0x0  }
0x69: {  	[sflag:s11] =	ssyncadd.s32 $0xFFFFFFB0  }
0x6a: {  	[tilespmem:s12], [sflag:$0x3] =	stream.indirect.gather [hbm4b:s3+s5], $0x80, s8, s5, $0xb8;
	[tilespmem:$0x14580] =	vst v63  }
0x6b: {  	_ = 	snop  }
0x6c: {  	[tilespmem:s13], [sflag:$0x4] =	stream.indirect.gather [hbm4b:s4+s5], $0x80, s9, s5, $0xb8;
	[tilespmem:$0x14580] =	vst v63  }
0x6d: {  	v1 =	vld [tilespmem:$0xA540]  }
0x6e: {  	v2 =	vld [tilespmem:$0xA510]  }
0x6f: {  	v3 =	vld [tilespmem:$0xA530]  }
0x70: {  	v60 =	vld [tilespmem:$0xA500]  }
0x71: {  	v61 =	vld [tilespmem:$0xA520]  }
0x72: {  	v1 =	vsub.s32 v1, v0  }
0x73: {  	v2 =	vsub.s32 v2, v0;
	v1 =	vmin.u32 v1, $0x1400  }
0x74: {  	[tilespmem:$0xA540] =	vst v1;
	v1 =	vmin.u32 v2, $0x1400;
	v2 =	vsub.s32 v3, v0  }
0x75: {  	v3 =	vsub.s32 v60, v0;
	[tilespmem:$0xA510] =	vst v1;
	v1 =	vmin.u32 v2, $0x1400  }
0x76: {  	v2 =	vmin.u32 v3, $0x1400;
	v3 =	vsub.s32 v61, v0;
	[tilespmem:$0xA530] =	vst v1  }
0x77: {  	v1 =	vmin.u32 v3, $0x1400;
	[tilespmem:$0xA500] =	vst v2  }
0x78: {  	[tilespmem:$0xA520] =	vst v1  }
0x79: {  	_ =	swait.ge [sflag:s14], $0x2800  }
0x7a: {  	[sflag:s14] =	ssyncset.done $0x0  }
0x7b: {  	[sflag:s14] =	ssyncadd.s32 $0xFFFFD800  }
0x7c: {  	[spmem:s1] =	stream.indirect.scatter.add.f32 [tilespmem:s26], [sflag:$0x5], $0x80, s31, s5, $0xb8;
	[tilespmem:$0x14580] =	vst v63  }
0x7d: {  	_ =	swait.ge [sflag:s15], $0x2800  }
0x7e: {  	[sflag:s15] =	ssyncset.done $0x0  }
0x7f: {  	[sflag:s15] =	ssyncadd.s32 $0xFFFFD800  }
0x80: {  	[spmem:s1] =	stream.indirect.scatter.add.f32 [tilespmem:s7], [sflag:$0x5], $0x80, s31, s5, $0xb8;
	[tilespmem:$0x14580] =	vst v63  }
0x81: {  	_ =	swait.ge [sflag:s0], $0x2800  }
0x82: {  	[sflag:s0] =	ssyncset.done $0x0  }
0x83: {  	[sflag:s0] =	ssyncadd.s32 $0xFFFFD800  }
0x84: {  	_ =	swait.ge [sflag:s0], $0x2800  }
0x85: {  	[sflag:s0] =	ssyncset.done $0x0  }
0x86: {  	s20 =	sadd.s32 $0x14, s20;
	[sflag:s0] =	ssyncadd.s32 $0xFFFFD800  }
0x87: {  	[tilespmem:s29], [sflag:$0x5] =	stream.linear.gather [hbm4b:s20+s2], $0x50, $0x38;
	[tilespmem:$0x14580] =	vst v63  }
0x88: {  	s24 =	sadd.s32 $0x14, s21  }
0x89: {  	[tilespmem:s30], [sflag:$0x5] =	stream.linear.gather [hbm4b:s24+s2], $0x50, $0x38;
	[tilespmem:$0x14580] =	vst v63  }
0x8a: {  	s25 =	sadd.s32 $0x14, s22  }
0x8b: {  	[tilespmem:s31], [sflag:$0x5] =	stream.linear.gather [hbm4b:s25+s2], $0x50, $0x38;
	[tilespmem:$0x14580] =	vst v63  }
0x8c: {  	_ =	swait.ge [sflag:s0], $0x50  }
0x8d: {  	[sflag:s0] =	ssyncset.done $0x0  }
0x8e: {  	[sflag:s0] =	ssyncadd.s32 $0xFFFFFFB0  }
0x8f: {  	_ =	swait.ge [sflag:s0], $0x50  }
0x90: {  	[sflag:s0] =	ssyncset.done $0x0  }
0x91: {  	[sflag:s0] =	ssyncadd.s32 $0xFFFFFFB0  }
0x92: {  	_ =	swait.ge [sflag:s0], $0x50  }
0x93: {  	[sflag:s0] =	ssyncset.done $0x0  }
0x94: {  	[sflag:s0] =	ssyncadd.s32 $0xFFFFFFB0  }
0x95: {  	[tilespmem:s26], [sflag:$0x1] =	stream.indirect.gather [hbm4b:s3+s5], $0x80, s29, s5, $0xb8;
	[tilespmem:$0x14580] =	vst v63  }
0x96: {  	_ = 	snop  }
0x97: {  	[tilespmem:s7], [sflag:$0x2] =	stream.indirect.gather [hbm4b:s4+s5], $0x80, s30, s5, $0xb8;
	[tilespmem:$0x14580] =	vst v63  }
0x98: {  	v1 =	vld [tilespmem:$0xA380]  }
0x99: {  	v2 =	vld [tilespmem:$0xA3C0]  }
0x9a: {  	v3 =	vld [tilespmem:$0xA3B0]  }
0x9b: {  	v62 =	vld [tilespmem:$0xA390]  }
0x9c: {  	v63 =	vld [tilespmem:$0xA3A0]  }
0x9d: {  	v1 =	vsub.s32 v1, v0  }
0x9e: {  	v2 =	vsub.s32 v2, v0;
	v1 =	vmin.u32 v1, $0x1400  }
0x9f: {  	v2 =	vmin.u32 v2, $0x1400;
	[tilespmem:$0xA380] =	vst v1;
	v1 =	vsub.s32 v3, v0  }
0xa0: {  	v3 =	vsub.s32 v62, v0;
	[tilespmem:$0xA3C0] =	vst v2;
	v1 =	vmin.u32 v1, $0x1400  }
0xa1: {  	v2 =	vmin.u32 v3, $0x1400;
	v3 =	vsub.s32 v63, v0;
	[tilespmem:$0xA3B0] =	vst v1  }
0xa2: {  	[tilespmem:$0xA390] =	vst v2;
	v1 =	vmin.u32 v3, $0x1400  }
0xa3: {  	[tilespmem:$0xA3A0] =	vst v1  }
0xa4: {  	_ =	swait.ge [sflag:s16], $0x2800  }
0xa5: {  	[sflag:s16] =	ssyncset.done $0x0  }
0xa6: {  	s20 =	simm.s32 $0x14;
	[sflag:s16] =	ssyncadd.s32 $0xFFFFD800  }
.LBB2_2:
0xa7: {  	[spmem:s1] =	stream.indirect.scatter.add.f32 [tilespmem:s12], [sflag:$0x6], $0x80, s10, s5, $0xb8;
	[tilespmem:$0x14580] =	vst v63  }
0xa8: {  	_ =	swait.ge [sflag:s18], $0x2800  }
0xa9: {  	[sflag:s18] =	ssyncset.done $0x0  }
0xaa: {  	[sflag:s18] =	ssyncadd.s32 $0xFFFFD800  }
0xab: {  	[spmem:s1] =	stream.indirect.scatter.add.f32 [tilespmem:s13], [sflag:$0x6], $0x80, s10, s5, $0xb8;
	[tilespmem:$0x14580] =	vst v63  }
0xac: {  	_ =	swait.ge [sflag:s11], $0x2800  }
0xad: {  	[sflag:s11] =	ssyncset.done $0x0  }
0xae: {  	[sflag:s11] =	ssyncadd.s32 $0xFFFFD800  }
0xaf: {  	_ =	swait.ge [sflag:s11], $0x2800  }
0xb0: {  	s21 =	rddreg [dreg:$0x6]  }
0xb1: {  	s23 =	smov.u32 s20;
	s22 =	rddreg [dreg:$0x5]  }
0xb2: {  	[sflag:s11] =	ssyncset.done $0x0;
	s24 =	rddreg [dreg:$0x4];
	s21 =	sadd.s32 s23, s21  }
0xb3: {  	[sflag:s11] =	ssyncadd.s32 $0xFFFFD800;
	s22 =	sadd.s32 s23, s22;
	s25 =	sadd.s32 $0xA, s21  }
0xb4: {  	[tilespmem:s8], [sflag:$0x6] =	stream.linear.gather [hbm4b:s25+s2], $0x50, $0x38;
	[tilespmem:$0x14580] =	vst v63  }
0xb5: {  	s23 =	sadd.s32 s23, s24;
	s25 =	sadd.s32 $0xA, s22  }
0xb6: {  	[tilespmem:s9], [sflag:$0x6] =	stream.linear.gather [hbm4b:s25+s2], $0x50, $0x38;
	[tilespmem:$0x14580] =	vst v63  }
0xb7: {  	s24 =	sadd.s32 $0xA, s23  }
0xb8: {  	[tilespmem:s10], [sflag:$0x6] =	stream.linear.gather [hbm4b:s24+s2], $0x50, $0x38;
	[tilespmem:$0x14580] =	vst v63  }
0xb9: {  	_ =	swait.ge [sflag:s11], $0x50  }
0xba: {  	[sflag:s11] =	ssyncset.done $0x0  }
0xbb: {  	[sflag:s11] =	ssyncadd.s32 $0xFFFFFFB0  }
0xbc: {  	_ =	swait.ge [sflag:s11], $0x50  }
0xbd: {  	[sflag:s11] =	ssyncset.done $0x0  }
0xbe: {  	[sflag:s11] =	ssyncadd.s32 $0xFFFFFFB0  }
0xbf: {  	_ =	swait.ge [sflag:s11], $0x50  }
0xc0: {  	[sflag:s11] =	ssyncset.done $0x0  }
0xc1: {  	[sflag:s11] =	ssyncadd.s32 $0xFFFFFFB0  }
0xc2: {  	[tilespmem:s12], [sflag:$0x3] =	stream.indirect.gather [hbm4b:s3+s5], $0x80, s8, s5, $0xb8;
	[tilespmem:$0x14580] =	vst v63  }
0xc3: {  	_ = 	snop  }
0xc4: {  	[tilespmem:s13], [sflag:$0x4] =	stream.indirect.gather [hbm4b:s4+s5], $0x80, s9, s5, $0xb8;
	[tilespmem:$0x14580] =	vst v63  }
0xc5: {  	v1 =	vld [tilespmem:$0xA540]  }
0xc6: {  	v3 =	vld [tilespmem:$0xA510]  }
0xc7: {  	v2 =	vld [tilespmem:$0xA530]  }
0xc8: {  	v4 =	vld [tilespmem:$0xA500]  }
0xc9: {  	v5 =	vld [tilespmem:$0xA520]  }
0xca: {  	v1 =	vsub.s32 v1, v0  }
0xcb: {  	v3 =	vsub.s32 v3, v0;
	v1 =	vmin.u32 v1, $0x1400  }
0xcc: {  	v2 =	vsub.s32 v2, v0;
	v3 =	vmin.u32 v3, $0x1400;
	[tilespmem:$0xA540] =	vst v1  }
0xcd: {  	v2 =	vmin.u32 v2, $0x1400;
	v1 =	vsub.s32 v4, v0;
	[tilespmem:$0xA510] =	vst v3  }
0xce: {  	v3 =	vsub.s32 v5, v0;
	[tilespmem:$0xA530] =	vst v2;
	v1 =	vmin.u32 v1, $0x1400  }
0xcf: {  	v3 =	vmin.u32 v3, $0x1400;
	[tilespmem:$0xA500] =	vst v1  }
0xd0: {  	[tilespmem:$0xA520] =	vst v3  }
0xd1: {  	_ =	swait.ge [sflag:s14], $0x2800  }
0xd2: {  	[sflag:s14] =	ssyncset.done $0x0  }
0xd3: {  	[sflag:s14] =	ssyncadd.s32 $0xFFFFD800  }
0xd4: {  	[spmem:s1] =	stream.indirect.scatter.add.f32 [tilespmem:s26], [sflag:$0x5], $0x80, s31, s5, $0xb8;
	[tilespmem:$0x14580] =	vst v63  }
0xd5: {  	_ =	swait.ge [sflag:s15], $0x2800  }
0xd6: {  	[sflag:s15] =	ssyncset.done $0x0  }
0xd7: {  	[sflag:s15] =	ssyncadd.s32 $0xFFFFD800  }
0xd8: {  	[spmem:s1] =	stream.indirect.scatter.add.f32 [tilespmem:s7], [sflag:$0x5], $0x80, s31, s5, $0xb8;
	[tilespmem:$0x14580] =	vst v63  }
0xd9: {  	_ =	swait.ge [sflag:s0], $0x2800  }
0xda: {  	[sflag:s0] =	ssyncset.done $0x0  }
0xdb: {  	[sflag:s0] =	ssyncadd.s32 $0xFFFFD800  }
0xdc: {  	_ =	swait.ge [sflag:s0], $0x2800  }
0xdd: {  	[sflag:s0] =	ssyncset.done $0x0  }
0xde: {  	s21 =	sadd.s32 $0x14, s21;
	[sflag:s0] =	ssyncadd.s32 $0xFFFFD800  }
0xdf: {  	[tilespmem:s29], [sflag:$0x5] =	stream.linear.gather [hbm4b:s21+s2], $0x50, $0x38;
	[tilespmem:$0x14580] =	vst v63  }
0xe0: {  	s24 =	sadd.s32 $0x14, s22  }
0xe1: {  	[tilespmem:s30], [sflag:$0x5] =	stream.linear.gather [hbm4b:s24+s2], $0x50, $0x38;
	[tilespmem:$0x14580] =	vst v63  }
0xe2: {  	s25 =	sadd.s32 $0x14, s23  }
0xe3: {  	[tilespmem:s31], [sflag:$0x5] =	stream.linear.gather [hbm4b:s25+s2], $0x50, $0x38;
	[tilespmem:$0x14580] =	vst v63  }
0xe4: {  	_ =	swait.ge [sflag:s0], $0x50  }
0xe5: {  	[sflag:s0] =	ssyncset.done $0x0  }
0xe6: {  	[sflag:s0] =	ssyncadd.s32 $0xFFFFFFB0  }
0xe7: {  	_ =	swait.ge [sflag:s0], $0x50  }
0xe8: {  	[sflag:s0] =	ssyncset.done $0x0  }
0xe9: {  	[sflag:s0] =	ssyncadd.s32 $0xFFFFFFB0  }
0xea: {  	_ =	swait.ge [sflag:s0], $0x50  }
0xeb: {  	[sflag:s0] =	ssyncset.done $0x0  }
0xec: {  	[sflag:s0] =	ssyncadd.s32 $0xFFFFFFB0  }
0xed: {  	[tilespmem:s26], [sflag:$0x1] =	stream.indirect.gather [hbm4b:s3+s5], $0x80, s29, s5, $0xb8;
	[tilespmem:$0x14580] =	vst v63  }
0xee: {  	_ = 	snop  }
0xef: {  	[tilespmem:s7], [sflag:$0x2] =	stream.indirect.gather [hbm4b:s4+s5], $0x80, s30, s5, $0xb8;
	[tilespmem:$0x14580] =	vst v63  }
0xf0: {  	v1 =	vld [tilespmem:$0xA380]  }
0xf1: {  	v2 =	vld [tilespmem:$0xA3C0]  }
0xf2: {  	v3 =	vld [tilespmem:$0xA3B0]  }
0xf3: {  	v62 =	vld [tilespmem:$0xA390]  }
0xf4: {  	v63 =	vld [tilespmem:$0xA3A0]  }
0xf5: {  	v1 =	vsub.s32 v1, v0  }
0xf6: {  	v2 =	vsub.s32 v2, v0;
	v1 =	vmin.u32 v1, $0x1400  }
0xf7: {  	v2 =	vmin.u32 v2, $0x1400;
	[tilespmem:$0xA380] =	vst v1;
	v1 =	vsub.s32 v3, v0  }
0xf8: {  	v3 =	vsub.s32 v62, v0;
	[tilespmem:$0xA3C0] =	vst v2;
	v1 =	vmin.u32 v1, $0x1400  }
0xf9: {  	p1 =	sne.s32 s20, $0x99C;
	v2 =	vmin.u32 v3, $0x1400;
	v3 =	vsub.s32 v63, v0;
	[tilespmem:$0xA3B0] =	vst v1  }
.Ltmp0:
0xfa: {  	[tilespmem:$0xA390] =	vst v2;
	v1 =	vmin.u32 v3, $0x1400;
	(pc) =	sbr.rel @p1 .LBB2_2-.Ltmp0, $4  }
0xfb: {  	[tilespmem:$0xA3A0] =	vst v1  }
0xfc: {  	_ =	swait.ge [sflag:s16], $0x2800  }
0xfd: {  	[sflag:s16] =	ssyncset.done $0x0  }
0xfe: {  	s20 =	sadd.s32 $0x14, s20;
	[sflag:s16] =	ssyncadd.s32 $0xFFFFD800  }
0xff: {  	[spmem:s1] =	stream.indirect.scatter.add.f32 [tilespmem:s12], [sflag:$0x6], $0x80, s10, s5, $0xb8;
	[tilespmem:$0x14580] =	vst v63  }
0x100: {  	_ =	swait.ge [sflag:s18], $0x2800  }
0x101: {  	[sflag:s18] =	ssyncset.done $0x0  }
0x102: {  	[sflag:s18] =	ssyncadd.s32 $0xFFFFD800  }
0x103: {  	[spmem:s1] =	stream.indirect.scatter.add.f32 [tilespmem:s13], [sflag:$0x6], $0x80, s10, s5, $0xb8;
	[tilespmem:$0x14580] =	vst v63  }
0x104: {  	_ =	swait.ge [sflag:s11], $0x2800  }
0x105: {  	[sflag:s11] =	ssyncset.done $0x0  }
0x106: {  	[sflag:s11] =	ssyncadd.s32 $0xFFFFD800  }
0x107: {  	_ =	swait.ge [sflag:s11], $0x2800  }
0x108: {  	[sflag:s11] =	ssyncset.done $0x0  }
0x109: {  	s20 =	rddreg [dreg:$0xf];
	[sflag:s11] =	ssyncadd.s32 $0xFFFFD800  }
0x10a: {  	[tilespmem:s8], [sflag:$0x6] =	stream.linear.gather [hbm4b:s20+s2], $0x50, $0x38;
	[tilespmem:$0x14580] =	vst v63  }
0x10b: {  	s21 =	rddreg [dreg:$0x10]  }
0x10c: {  	[tilespmem:s9], [sflag:$0x6] =	stream.linear.gather [hbm4b:s21+s2], $0x50, $0x38;
	[tilespmem:$0x14580] =	vst v63  }
0x10d: {  	s22 =	rddreg [dreg:$0x11]  }
0x10e: {  	[tilespmem:s10], [sflag:$0x6] =	stream.linear.gather [hbm4b:s22+s2], $0x50, $0x38;
	[tilespmem:$0x14580] =	vst v63  }
0x10f: {  	_ =	swait.ge [sflag:s11], $0x50  }
0x110: {  	[sflag:s11] =	ssyncset.done $0x0  }
0x111: {  	[sflag:s11] =	ssyncadd.s32 $0xFFFFFFB0  }
0x112: {  	_ =	swait.ge [sflag:s11], $0x50  }
0x113: {  	[sflag:s11] =	ssyncset.done $0x0  }
0x114: {  	[sflag:s11] =	ssyncadd.s32 $0xFFFFFFB0  }
0x115: {  	_ =	swait.ge [sflag:s11], $0x50  }
0x116: {  	[sflag:s11] =	ssyncset.done $0x0  }
0x117: {  	[sflag:s11] =	ssyncadd.s32 $0xFFFFFFB0  }
0x118: {  	[tilespmem:s12], [sflag:$0x3] =	stream.indirect.gather [hbm4b:s3+s5], $0x80, s8, s5, $0xb8;
	[tilespmem:$0x14580] =	vst v63  }
0x119: {  	_ = 	snop  }
0x11a: {  	[tilespmem:s13], [sflag:$0x4] =	stream.indirect.gather [hbm4b:s4+s5], $0x80, s9, s5, $0xb8;
	[tilespmem:$0x14580] =	vst v63  }
0x11b: {  	v1 =	vld [tilespmem:$0xA500]  }
0x11c: {  	v2 =	vld [tilespmem:$0xA510]  }
0x11d: {  	v3 =	vld [tilespmem:$0xA520]  }
0x11e: {  	v4 =	vld [tilespmem:$0xA530]  }
0x11f: {  	v5 =	vld [tilespmem:$0xA540]  }
0x120: {  	v1 =	vsub.s32 v1, v0  }
0x121: {  	v2 =	vsub.s32 v2, v0;
	v1 =	vmin.u32 v1, $0x1400  }
0x122: {  	[tilespmem:$0xA500] =	vst v1;
	v1 =	vmin.u32 v2, $0x1400;
	v2 =	vsub.s32 v3, v0  }
0x123: {  	[tilespmem:$0xA510] =	vst v1;
	v1 =	vmin.u32 v2, $0x1400;
	v2 =	vsub.s32 v4, v0  }
0x124: {  	[tilespmem:$0xA520] =	vst v1;
	v1 =	vmin.u32 v2, $0x1400;
	v2 =	vsub.s32 v5, v0  }
0x125: {  	[tilespmem:$0xA530] =	vst v1;
	v1 =	vmin.u32 v2, $0x1400  }
0x126: {  	[tilespmem:$0xA540] =	vst v1  }
0x127: {  	_ =	swait.ge [sflag:s14], $0x2800  }
0x128: {  	[sflag:s14] =	ssyncset.done $0x0  }
0x129: {  	[sflag:s14] =	ssyncadd.s32 $0xFFFFD800  }
0x12a: {  	[spmem:s1] =	stream.indirect.scatter.add.f32 [tilespmem:s26], [sflag:$0x5], $0x80, s31, s5, $0xb8;
	[tilespmem:$0x14580] =	vst v63  }
0x12b: {  	_ =	swait.ge [sflag:s15], $0x2800  }
0x12c: {  	[sflag:s15] =	ssyncset.done $0x0  }
0x12d: {  	[sflag:s15] =	ssyncadd.s32 $0xFFFFD800  }
0x12e: {  	[spmem:s1] =	stream.indirect.scatter.add.f32 [tilespmem:s7], [sflag:$0x5], $0x80, s31, s5, $0xb8;
	[tilespmem:$0x14580] =	vst v63  }
0x12f: {  	_ =	swait.ge [sflag:s0], $0x2800  }
0x130: {  	[sflag:s0] =	ssyncset.done $0x0  }
0x131: {  	[sflag:s0] =	ssyncadd.s32 $0xFFFFD800  }
0x132: {  	_ =	swait.ge [sflag:s0], $0x2800  }
0x133: {  	[sflag:s0] =	ssyncset.done $0x0  }
0x134: {  	[sflag:s0] =	ssyncadd.s32 $0xFFFFD800  }
0x135: {  	_ =	swait.ge [sflag:s16], $0x2800  }
0x136: {  	[sflag:s16] =	ssyncset.done $0x0  }
0x137: {  	[sflag:s16] =	ssyncadd.s32 $0xFFFFD800  }
0x138: {  	[spmem:s1] =	stream.indirect.scatter.add.f32 [tilespmem:s12], [sflag:$0x6], $0x80, s10, s5, $0xb8;
	[tilespmem:$0x14580] =	vst v63  }
0x139: {  	_ =	swait.ge [sflag:s18], $0x2800  }
0x13a: {  	[sflag:s18] =	ssyncset.done $0x0  }
0x13b: {  	[sflag:s18] =	ssyncadd.s32 $0xFFFFD800  }
0x13c: {  	[spmem:s1] =	stream.indirect.scatter.add.f32 [tilespmem:s13], [sflag:$0x6], $0x80, s10, s5, $0xb8;
	[tilespmem:$0x14580] =	vst v63  }
0x13d: {  	_ =	swait.ge [sflag:s11], $0x2800  }
0x13e: {  	[sflag:s11] =	ssyncset.done $0x0  }
0x13f: {  	[sflag:s11] =	ssyncadd.s32 $0xFFFFD800  }
0x140: {  	_ =	swait.ge [sflag:s11], $0x2800  }
0x141: {  	[sflag:s11] =	ssyncset.done $0x0  }
0x142: {  	[sflag:s11] =	ssyncadd.s32 $0xFFFFD800  }
0x143: {  	[bflag:$0x0] =	sbarrier.arrive $0xFFFF  }
0x144: {  	[tilespmem:s26], [sflag:$0x7] =	stream.linear.gather [spmem:s17], $0x2800, $0x38;
	[tilespmem:$0x14580] =	vst v63  }
0x145: {  	_ =	swait.ge [sflag:s28], $0x2800  }
0x146: {  	[sflag:s28] =	ssyncset.done $0x0  }
0x147: {  	s23 =	rddreg [dreg:$0x12];
	[sflag:s28] =	ssyncadd.s32 $0xFFFFD800  }
0x148: {  	[hbm4b:s23+s2] =	stream.linear.scatter [tilespmem:s26], [sflag:$0x7], $0x2800, $0x38;
	[tilespmem:$0x14580] =	vst v63  }
0x149: {  	_ =	swait.ge [sflag:s28], $0x2800  }
0x14a: {  	[sflag:s28] =	ssyncset.done $0x0  }
0x14b: {  	s24 =	rddreg [dreg:$0x13];
	[sflag:s28] =	ssyncadd.s32 $0xFFFFD800  }
0x14c: {  	[tilespmem:s26], [sflag:$0x7] =	stream.linear.gather [spmem:s24], $0x2800, $0x38;
	[tilespmem:$0x14580] =	vst v63  }
0x14d: {  	_ =	swait.ge [sflag:s28], $0x2800  }
0x14e: {  	[sflag:s28] =	ssyncset.done $0x0  }
0x14f: {  	s25 =	rddreg [dreg:$0x14];
	[sflag:s28] =	ssyncadd.s32 $0xFFFFD800  }
0x150: {  	[hbm4b:s25+s2] =	stream.linear.scatter [tilespmem:s26], [sflag:$0x7], $0x2800, $0x38;
	[tilespmem:$0x14580] =	vst v63  }
0x151: {  	_ =	swait.ge [sflag:s28], $0x2800  }
0x152: {  	[sflag:s28] =	ssyncset.done $0x0  }
0x153: {  	s21 =	rddreg [dreg:$0x15];
	[sflag:s28] =	ssyncadd.s32 $0xFFFFD800  }
0x154: {  	[tilespmem:s26], [sflag:$0x7] =	stream.linear.gather [spmem:s21], $0x2800, $0x38;
	[tilespmem:$0x14580] =	vst v63  }
0x155: {  	_ =	swait.ge [sflag:s28], $0x2800  }
0x156: {  	[sflag:s28] =	ssyncset.done $0x0  }
0x157: {  	s22 =	rddreg [dreg:$0x16];
	[sflag:s28] =	ssyncadd.s32 $0xFFFFD800  }
0x158: {  	[hbm4b:s22+s2] =	stream.linear.scatter [tilespmem:s26], [sflag:$0x7], $0x2800, $0x38;
	[tilespmem:$0x14580] =	vst v63  }
0x159: {  	_ =	swait.ge [sflag:s28], $0x2800  }
0x15a: {  	[sflag:s28] =	ssyncset.done $0x0  }
0x15b: {  	s23 =	rddreg [dreg:$0x19];
	[sflag:s28] =	ssyncadd.s32 $0xFFFFD800  }
0x15c: {  	[tilespmem:s26], [sflag:$0x7] =	stream.linear.gather [spmem:s23], $0x2800, $0x38;
	[tilespmem:$0x14580] =	vst v63  }
0x15d: {  	_ =	swait.ge [sflag:s28], $0x2800  }
0x15e: {  	[sflag:s28] =	ssyncset.done $0x0  }
0x15f: {  	s24 =	rddreg [dreg:$0x17];
	[sflag:s28] =	ssyncadd.s32 $0xFFFFD800  }
0x160: {  	[hbm4b:s24+s2] =	stream.linear.scatter [tilespmem:s26], [sflag:$0x7], $0x2800, $0x38;
	[tilespmem:$0x14580] =	vst v63  }
0x161: {  	_ =	swait.ge [sflag:s28], $0x2800  }
0x162: {  	s19 =	sadd.s32 $0x1, s19;
	s25 =	rddreg [dreg:$0x18]  }
0x163: {  	p1 =	sne.s32 s19, s25  }
.Ltmp1:
0x164: {  	_ = 	snop;
	(pc) =	sbr.rel @p1 .LBB2_1-.Ltmp1, $3  }
0x165: {  	_ =	sdelay $0x1  }
0x166: {  	[sflag:s28] =	ssyncset.done $0x0  }
0x167: {  	[sflag:s28] =	ssyncadd.s32 $0xFFFFD800  }
0x168: {  	_ =	sfence.sel $0x180000  }
0x169: {  	[bflag:$0x0] =	sbarrier.arrive $0xFFFF  }
0x16a: {  	_ =	strace $0x90000047  }
0x16b: {  	[bflag:$0x2] =	sbarrier.arrive $0xFFFF  }
0x16c: {  	s0 =	rddreg [dreg:$0x3]  }
0x16d: {  	s0 =	sadd.s32 @!p0 $0x100000, s0  }
0x16e: {  	[sflag:s0] =	ssyncadd.tile.s32 @!p0 $0x1;
	_ =	shalt  }
.Lfunc_end2:
_tile_overlayer_lowered:
.L_overlay_start_2:
0x16f: {  	(tag) =	ssettag $0x2  }
0x170: {  	s0 =	rddreg [dreg:$0x0];
	s2 =	stileid.u32  }
0x171: {  	s1 =	rddreg [dreg:$0x1];
	p0 =	sne.s32 s2, $0x0  }
0x172: {  	s3 =	rddreg [dreg:$0x2];
	[bflag:$0x3] =	sbarrier.arrive $0xFFFF;
	s2 =	simm.s32 @!p0 $0x1C07  }
0x173: {  	[timem:s3], [sflag:s2] =	dma.local @!p0 [hbm:s0], s1  }
0x174: {  	s0 =	simm.s32 @!p0 $0x7  }
0x175: {  	_ =	swait.ge @!p0 [sflag:s0], s1  }
0x176: {  	s1 =	ssub.s32 @!p0 $0x0, s1;
	[sflag:s0] =	ssyncset.done @!p0 $0x0  }
0x177: {  	[sflag:s0] =	ssyncadd.s32 @!p0 s1  }
0x178: {  	[bflag:$0x3] =	sbarrier.arrive $0xFFFF  }
0x179: {  	_ =	shalt  }

</sc_bundles>
